<compile_context>
chip_gen: v7x
topology: tpu7x:2x2x1
jax: 0.10.2.dev20260603
libtpu: 0.0.44.dev20260713+nightly
codegen_flags: <defaults>
</compile_context>

<pallas_src>
import functools

import jax
import jax.numpy as jnp
from jax import lax
from jax.experimental import pallas as pl
from jax.experimental.pallas import tpu as pltpu
from jax.experimental.pallas import tpu_sc as plsc

_BETA = 0.9
_A = 0.2
_P = 1.5
_Q = -50.0

_NC = 2
_NS = 16
_NW = _NC * _NS
_CH = 128
_L = 16


def _loss_body(logits_ref, tgt_ref, loss_ref):
    x = logits_ref[...]
    t = tgt_ref[...]
    lse = jnp.log(jnp.sum(jnp.exp(x), axis=0))
    row = lax.broadcasted_iota(jnp.int32, x.shape, 0)
    tl = jnp.sum(jnp.where(row == t[None, :], x, 0.0), axis=0)
    loss_ref[...] = lse - tl


def _finish_body(loss_ref, g_ref, dpm_ref, scal_ref, out_ref):
    new = g_ref[...] * _BETA + loss_ref[...] * (1.0 - _BETA)
    inv_bias = scal_ref[0]
    gamma = scal_ref[1]
    scaled = new * inv_bias
    k1 = jnp.sum(scaled) * (1.0 / new.shape[0])
    out_ref[...] = (scaled - gamma * k1) / dpm_ref[...]


def _gather_body(b_per_w, exp_hbm, idx_hbm, out_hbm, idx_v, vals_v, sem):
    wid = lax.axis_index("s") * _NC + lax.axis_index("c")
    base = wid * b_per_w
    pltpu.sync_copy(idx_hbm.at[pl.ds(base, b_per_w)], idx_v)
    handles = []
    for j in range(b_per_w // _CH):
        handles.append(pltpu.async_copy(
            exp_hbm.at[idx_v.at[pl.ds(j * _CH, _CH)]],
            vals_v.at[pl.ds(j * _CH, _CH)], sem))
    for h in handles:
        h.wait()
    pltpu.sync_copy(vals_v, out_hbm.at[pl.ds(base, b_per_w)])


def _scatter_body(M, B, exp_hbm, idx_hbm, loss_hbm, gath_hbm, out_hbm,
                  idx_v, loss_v, gath_v, tbuf, sem):
    wid = lax.axis_index("s") * _NC + lax.axis_index("c")
    seg = (M // _NW) // 8 * 8
    seg_last = M - (_NW - 1) * seg
    base = wid * seg
    is_last = wid == _NW - 1

    pltpu.sync_copy(idx_hbm, idx_v)
    pltpu.sync_copy(loss_hbm, loss_v)
    pltpu.sync_copy(gath_hbm, gath_v)

    @pl.when(jnp.logical_not(is_last))
    def _():
        pltpu.sync_copy(exp_hbm.at[pl.ds(base, seg)], tbuf.at[pl.ds(0, seg)])

    @pl.when(is_last)
    def _():
        pltpu.sync_copy(exp_hbm.at[pl.ds(base, seg_last)],
                        tbuf.at[pl.ds(0, seg_last)])

    myseg = jnp.where(is_last, seg_last, seg).astype(jnp.uint32)

    def _pair_step(k, carry):
        o = k * _L
        idx = idx_v[pl.ds(o, _L)]
        new = (gath_v[pl.ds(o, _L)] * _BETA
               + loss_v[pl.ds(o, _L)] * (1.0 - _BETA))
        local = idx - base
        ok = local.astype(jnp.uint32) < myseg
        safe = jnp.where(ok, local, 0)
        plsc.store_scatter(tbuf, [safe], new, mask=ok)
        return carry

    lax.fori_loop(0, B // _L, _pair_step, 0, unroll=8)

    @pl.when(jnp.logical_not(is_last))
    def _():
        pltpu.sync_copy(tbuf.at[pl.ds(0, seg)], out_hbm.at[pl.ds(base, seg)])

    @pl.when(is_last)
    def _():
        pltpu.sync_copy(tbuf.at[pl.ds(0, seg_last)],
                        out_hbm.at[pl.ds(base, seg_last)])


def _scatter_body_wrap(M, B, *refs):
    return _scatter_body(M, B, *refs)


def kernel(logits, targets, data_parameter_minibatch, exp_avg, index_dataset,
           epoch):
    B, C = logits.shape
    M = exp_avg.shape[0]
    targets = targets.astype(jnp.int32)
    index_dataset = index_dataset.astype(jnp.int32)

    ep = jnp.asarray(epoch, jnp.float32)
    gamma = _A * jnp.tanh(_P * (ep - _Q)) + _A + 1.0
    inv_bias = 1.0 / (1.0 - _BETA ** (ep + 1.0))
    scal = jnp.stack([inv_bias, gamma])

    logits_t = jnp.swapaxes(logits, 0, 1)
    BN = 2048
    grid = B // BN
    loss = pl.pallas_call(
        _loss_body,
        grid=(grid,),
        in_specs=[
            pl.BlockSpec((C, BN), lambda i: (0, i)),
            pl.BlockSpec((BN,), lambda i: (i,)),
        ],
        out_specs=pl.BlockSpec((BN,), lambda i: (i,)),
        out_shape=jax.ShapeDtypeStruct((B,), jnp.float32),
    )(logits_t, targets)

    b_per_w = B // _NW
    mesh = plsc.VectorSubcoreMesh(core_axis_name="c", subcore_axis_name="s")
    gathered = pl.kernel(
        functools.partial(_gather_body, b_per_w),
        out_type=jax.ShapeDtypeStruct((B,), jnp.float32),
        mesh=mesh,
        scratch_types=[
            pltpu.VMEM((b_per_w,), jnp.int32),
            pltpu.VMEM((b_per_w,), jnp.float32),
            pltpu.SemaphoreType.DMA,
        ],
    )(exp_avg, index_dataset)

    new_loss = pl.pallas_call(
        _finish_body,
        in_specs=[
            pl.BlockSpec(memory_space=pltpu.VMEM),
            pl.BlockSpec(memory_space=pltpu.VMEM),
            pl.BlockSpec(memory_space=pltpu.VMEM),
            pl.BlockSpec(memory_space=pltpu.SMEM),
        ],
        out_specs=pl.BlockSpec(memory_space=pltpu.VMEM),
        out_shape=jax.ShapeDtypeStruct((B,), jnp.float32),
    )(loss, gathered, data_parameter_minibatch, scal)

    seg = (M // _NW) // 8 * 8
    seg_last = M - (_NW - 1) * seg
    exp_avg_new = pl.kernel(
        functools.partial(_scatter_body_wrap, M, B),
        out_type=jax.ShapeDtypeStruct((M,), jnp.float32),
        mesh=mesh,
        compiler_params=pltpu.CompilerParams(needs_layout_passes=False),
        scratch_types=[
            pltpu.VMEM((B,), jnp.int32),
            pltpu.VMEM((B,), jnp.float32),
            pltpu.VMEM((B,), jnp.float32),
            pltpu.VMEM((seg_last,), jnp.float32),
            pltpu.SemaphoreType.DMA,
        ],
    )(exp_avg, index_dataset, loss, gathered)

    return new_loss, exp_avg_new

# --- scband reference (transcript-rebuilt; emitter-appended) ---
"""Pipeline reference for scband-discrim-ea-emak-tanh-wo-esloss-new-q-28630251995798 (READ-ONLY COPY).

The authoritative reference and input builder live on the scoring server;
editing this copy changes nothing except your own understanding.
"""

import jax, jax.numpy as jnp
import numpy as np

beta = 0.9
A = 0.2
P = 1.5
Q = -50.0

B = 16384
C = 1000
M = 1000000


def setup_inputs(seed: int = 0) -> dict:
    key = jax.random.key(seed)
    k1, k2, k3, k4, k5 = jax.random.split(key, 5)
    logits = jax.random.normal(k1, (B, C), dtype=jnp.float32)
    targets = jax.random.randint(k2, (B,), 0, C)
    data_parameter_minibatch = jax.random.uniform(k3, (B,), dtype=jnp.float32)
    exp_avg = jax.random.uniform(k4, (M,), dtype=jnp.float32)
    index_dataset = jax.random.randint(k5, (B,), 0, M)
    epoch = 10
    return {
        'logits': logits,
        'targets': targets,
        'data_parameter_minibatch': data_parameter_minibatch,
        'exp_avg': exp_avg,
        'index_dataset': index_dataset,
        'epoch': epoch,
    }


def reference(logits, targets, data_parameter_minibatch, exp_avg, index_dataset, epoch):
    # gamma = a * tanh(p * (epoch - q)) + a + 1.0
    gamma = A * jnp.tanh(P * (epoch - Q)) + A + 1.0
    # per-sample cross entropy (task_type == 'classification')
    lse = jax.scipy.special.logsumexp(logits, axis=-1)
    tgt_logit = jnp.take_along_axis(logits, targets[:, None], axis=-1)[:, 0]
    loss = lse - tgt_logit
    # EMA update of per-sample loss: gather from exp_avg buffer
    gathered = jnp.take(exp_avg, index_dataset, axis=0)
    new_loss = gathered * beta + loss * (1.0 - beta)
    # scatter-overwrite detached EMA values back into buffer (in-place in torch)
    exp_avg_new = exp_avg.at[index_dataset].set(jax.lax.stop_gradient(new_loss))
    # bias correction
    bias_cor = 1.0 - beta ** (epoch + 1)
    new_loss = new_loss / bias_cor
    # k1 computed via .item() in torch -> constant w.r.t. autodiff (first=True branch)
    k1 = jax.lax.stop_gradient(jnp.mean(new_loss))
    new_loss = new_loss - gamma * k1
    new_loss = new_loss / data_parameter_minibatch
    return new_loss, exp_avg_new

if __name__ == "__main__":
    import jax
    _d = setup_inputs()
    print(jax.jit(kernel)(*tuple(_d.values())))

</pallas_src>

<mosaic_0001>
#map = affine_map<(d0, d1) -> (0)>
module attributes {stable_mosaic.version = 14 : i64} {
  func.func @_gather_body(%arg0: i32, %arg1: i32, %arg2: memref<1000000xf32, #tpu.memory_space<hbm>>, %arg3: memref<16384xi32, #tpu.memory_space<hbm>>, %arg4: memref<16384xf32, #tpu.memory_space<hbm>>, %arg5: memref<512xi32, #tpu.memory_space<vmem>>, %arg6: memref<512xf32, #tpu.memory_space<vmem>>, %arg7: memref<!tpu.dma_semaphore, #tpu.memory_space<semaphore_mem>>) attributes {dimension_semantics = [#tpu.dimension_semantics<core_parallel>, #tpu.dimension_semantics<subcore_parallel>], iteration_bounds = array<i64: 2, 16>, scalar_prefetch = 0 : i64, scratch_operands = 3 : i64, tpu.core_type = #tpu.core_type<sc_vector_subcore>, window_params = [{transform_indices = #map}, {transform_indices = #map}, {transform_indices = #map}]} {
    %mul3A = arith.constant 2 : i32
    %mul3A_0 = arith.muli %arg1, %mul3A : i32
    %add3A = arith.addi %mul3A_0, %arg0 : i32
    %mul3A_1 = arith.constant 512 : i32
    %mul3A_2 = arith.muli %add3A, %mul3A_1 : i32
    "tpu.region"() ({
      %run_scoped3A = tpu.sem_alloc : memref<!tpu.dma_semaphore, #tpu.memory_space<semaphore_mem>>
      %dma_start3A_49 = tpu.memref_slice %arg3[%mul3A_2] : memref<16384xi32, #tpu.memory_space<hbm>> -> memref<512xi32, #tpu.memory_space<hbm>>
      %dma_start3A_50 = tpu.memref_slice %arg3[%mul3A_2] : memref<16384xi32, #tpu.memory_space<hbm>> -> memref<512xi32, #tpu.memory_space<hbm>>
      tpu.enqueue_dma source(%dma_start3A_50 : memref<512xi32, #tpu.memory_space<hbm>>) target(%arg5 : memref<512xi32, #tpu.memory_space<vmem>>) target_semaphore(%run_scoped3A : memref<!tpu.dma_semaphore, #tpu.memory_space<semaphore_mem>>)
      %dma_wait3A_51 = tpu.memref_slice %arg3[%mul3A_2] : memref<16384xi32, #tpu.memory_space<hbm>> -> memref<512xi32, #tpu.memory_space<hbm>>
      %dma_wait3A_52 = tpu.memref_slice %arg3[%mul3A_2] : memref<16384xi32, #tpu.memory_space<hbm>> -> memref<512xi32, #tpu.memory_space<hbm>>
      tpu.wait_dma2 semaphore(%run_scoped3A : memref<!tpu.dma_semaphore, #tpu.memory_space<semaphore_mem>>) src(%dma_wait3A_52 : memref<512xi32, #tpu.memory_space<hbm>>) dst(%arg5 : memref<512xi32, #tpu.memory_space<vmem>>)
      tpu.yield
    }) : () -> ()
    %dma_start3A = arith.constant 0 : i32
    %dma_start3A_3 = tpu.memref_slice %arg6[%dma_start3A] : memref<512xf32, #tpu.memory_space<vmem>> -> memref<128xf32, #tpu.memory_space<vmem>>
    %dma_start3A_4 = arith.constant 0 : i32
    %dma_start3A_5 = tpu.memref_slice %arg5[%dma_start3A_4] : memref<512xi32, #tpu.memory_space<vmem>> -> memref<128xi32, #tpu.memory_space<vmem>>
    %dma_start3A_6 = arith.constant 0 : i32
    %dma_start3A_7 = tpu.memref_slice %arg2[%dma_start3A_6] : memref<1000000xf32, #tpu.memory_space<hbm>> -> memref<1000000xf32, #tpu.memory_space<hbm>>
    tpu.enqueue_indirect_dma source(%dma_start3A_7 : memref<1000000xf32, #tpu.memory_space<hbm>>) target(%dma_start3A_3 : memref<128xf32, #tpu.memory_space<vmem>>) offsets(%dma_start3A_5 : memref<128xi32, #tpu.memory_space<vmem>>) semaphore(%arg7 : memref<!tpu.dma_semaphore, #tpu.memory_space<semaphore_mem>>)
    %dma_start3A_8 = arith.constant 128 : i32
    %dma_start3A_9 = tpu.memref_slice %arg6[%dma_start3A_8] : memref<512xf32, #tpu.memory_space<vmem>> -> memref<128xf32, #tpu.memory_space<vmem>>
    %dma_start3A_10 = arith.constant 128 : i32
    %dma_start3A_11 = tpu.memref_slice %arg5[%dma_start3A_10] : memref<512xi32, #tpu.memory_space<vmem>> -> memref<128xi32, #tpu.memory_space<vmem>>
    %dma_start3A_12 = arith.constant 0 : i32
    %dma_start3A_13 = tpu.memref_slice %arg2[%dma_start3A_12] : memref<1000000xf32, #tpu.memory_space<hbm>> -> memref<1000000xf32, #tpu.memory_space<hbm>>
    tpu.enqueue_indirect_dma source(%dma_start3A_13 : memref<1000000xf32, #tpu.memory_space<hbm>>) target(%dma_start3A_9 : memref<128xf32, #tpu.memory_space<vmem>>) offsets(%dma_start3A_11 : memref<128xi32, #tpu.memory_space<vmem>>) semaphore(%arg7 : memref<!tpu.dma_semaphore, #tpu.memory_space<semaphore_mem>>)
    %dma_start3A_14 = arith.constant 256 : i32
    %dma_start3A_15 = tpu.memref_slice %arg6[%dma_start3A_14] : memref<512xf32, #tpu.memory_space<vmem>> -> memref<128xf32, #tpu.memory_space<vmem>>
    %dma_start3A_16 = arith.constant 256 : i32
    %dma_start3A_17 = tpu.memref_slice %arg5[%dma_start3A_16] : memref<512xi32, #tpu.memory_space<vmem>> -> memref<128xi32, #tpu.memory_space<vmem>>
    %dma_start3A_18 = arith.constant 0 : i32
    %dma_start3A_19 = tpu.memref_slice %arg2[%dma_start3A_18] : memref<1000000xf32, #tpu.memory_space<hbm>> -> memref<1000000xf32, #tpu.memory_space<hbm>>
    tpu.enqueue_indirect_dma source(%dma_start3A_19 : memref<1000000xf32, #tpu.memory_space<hbm>>) target(%dma_start3A_15 : memref<128xf32, #tpu.memory_space<vmem>>) offsets(%dma_start3A_17 : memref<128xi32, #tpu.memory_space<vmem>>) semaphore(%arg7 : memref<!tpu.dma_semaphore, #tpu.memory_space<semaphore_mem>>)
    %dma_start3A_20 = arith.constant 384 : i32
    %dma_start3A_21 = tpu.memref_slice %arg6[%dma_start3A_20] : memref<512xf32, #tpu.memory_space<vmem>> -> memref<128xf32, #tpu.memory_space<vmem>>
    %dma_start3A_22 = arith.constant 384 : i32
    %dma_start3A_23 = tpu.memref_slice %arg5[%dma_start3A_22] : memref<512xi32, #tpu.memory_space<vmem>> -> memref<128xi32, #tpu.memory_space<vmem>>
    %dma_start3A_24 = arith.constant 0 : i32
    %dma_start3A_25 = tpu.memref_slice %arg2[%dma_start3A_24] : memref<1000000xf32, #tpu.memory_space<hbm>> -> memref<1000000xf32, #tpu.memory_space<hbm>>
    tpu.enqueue_indirect_dma source(%dma_start3A_25 : memref<1000000xf32, #tpu.memory_space<hbm>>) target(%dma_start3A_21 : memref<128xf32, #tpu.memory_space<vmem>>) offsets(%dma_start3A_23 : memref<128xi32, #tpu.memory_space<vmem>>) semaphore(%arg7 : memref<!tpu.dma_semaphore, #tpu.memory_space<semaphore_mem>>)
    %dma_wait3A = arith.constant 0 : i32
    %dma_wait3A_26 = tpu.memref_slice %arg6[%dma_wait3A] : memref<512xf32, #tpu.memory_space<vmem>> -> memref<128xf32, #tpu.memory_space<vmem>>
    %dma_wait3A_27 = arith.constant 0 : i32
    %dma_wait3A_28 = tpu.memref_slice %arg5[%dma_wait3A_27] : memref<512xi32, #tpu.memory_space<vmem>> -> memref<128xi32, #tpu.memory_space<vmem>>
    %dma_wait3A_29 = arith.constant 0 : i32
    %dma_wait3A_30 = tpu.memref_slice %arg2[%dma_wait3A_29] : memref<1000000xf32, #tpu.memory_space<hbm>> -> memref<1000000xf32, #tpu.memory_space<hbm>>
    tpu.wait_indirect_dma semaphore(%arg7 : memref<!tpu.dma_semaphore, #tpu.memory_space<semaphore_mem>>) src(%dma_wait3A_30 : memref<1000000xf32, #tpu.memory_space<hbm>>) dst(%dma_wait3A_26 : memref<128xf32, #tpu.memory_space<vmem>>)
    %dma_wait3A_31 = arith.constant 128 : i32
    %dma_wait3A_32 = tpu.memref_slice %arg6[%dma_wait3A_31] : memref<512xf32, #tpu.memory_space<vmem>> -> memref<128xf32, #tpu.memory_space<vmem>>
    %dma_wait3A_33 = arith.constant 128 : i32
    %dma_wait3A_34 = tpu.memref_slice %arg5[%dma_wait3A_33] : memref<512xi32, #tpu.memory_space<vmem>> -> memref<128xi32, #tpu.memory_space<vmem>>
    %dma_wait3A_35 = arith.constant 0 : i32
    %dma_wait3A_36 = tpu.memref_slice %arg2[%dma_wait3A_35] : memref<1000000xf32, #tpu.memory_space<hbm>> -> memref<1000000xf32, #tpu.memory_space<hbm>>
    tpu.wait_indirect_dma semaphore(%arg7 : memref<!tpu.dma_semaphore, #tpu.memory_space<semaphore_mem>>) src(%dma_wait3A_36 : memref<1000000xf32, #tpu.memory_space<hbm>>) dst(%dma_wait3A_32 : memref<128xf32, #tpu.memory_space<vmem>>)
    %dma_wait3A_37 = arith.constant 256 : i32
    %dma_wait3A_38 = tpu.memref_slice %arg6[%dma_wait3A_37] : memref<512xf32, #tpu.memory_space<vmem>> -> memref<128xf32, #tpu.memory_space<vmem>>
    %dma_wait3A_39 = arith.constant 256 : i32
    %dma_wait3A_40 = tpu.memref_slice %arg5[%dma_wait3A_39] : memref<512xi32, #tpu.memory_space<vmem>> -> memref<128xi32, #tpu.memory_space<vmem>>
    %dma_wait3A_41 = arith.constant 0 : i32
    %dma_wait3A_42 = tpu.memref_slice %arg2[%dma_wait3A_41] : memref<1000000xf32, #tpu.memory_space<hbm>> -> memref<1000000xf32, #tpu.memory_space<hbm>>
    tpu.wait_indirect_dma semaphore(%arg7 : memref<!tpu.dma_semaphore, #tpu.memory_space<semaphore_mem>>) src(%dma_wait3A_42 : memref<1000000xf32, #tpu.memory_space<hbm>>) dst(%dma_wait3A_38 : memref<128xf32, #tpu.memory_space<vmem>>)
    %dma_wait3A_43 = arith.constant 384 : i32
    %dma_wait3A_44 = tpu.memref_slice %arg6[%dma_wait3A_43] : memref<512xf32, #tpu.memory_space<vmem>> -> memref<128xf32, #tpu.memory_space<vmem>>
    %dma_wait3A_45 = arith.constant 384 : i32
    %dma_wait3A_46 = tpu.memref_slice %arg5[%dma_wait3A_45] : memref<512xi32, #tpu.memory_space<vmem>> -> memref<128xi32, #tpu.memory_space<vmem>>
    %dma_wait3A_47 = arith.constant 0 : i32
    %dma_wait3A_48 = tpu.memref_slice %arg2[%dma_wait3A_47] : memref<1000000xf32, #tpu.memory_space<hbm>> -> memref<1000000xf32, #tpu.memory_space<hbm>>
    tpu.wait_indirect_dma semaphore(%arg7 : memref<!tpu.dma_semaphore, #tpu.memory_space<semaphore_mem>>) src(%dma_wait3A_48 : memref<1000000xf32, #tpu.memory_space<hbm>>) dst(%dma_wait3A_44 : memref<128xf32, #tpu.memory_space<vmem>>)
    "tpu.region"() ({
      %run_scoped3A = tpu.sem_alloc : memref<!tpu.dma_semaphore, #tpu.memory_space<semaphore_mem>>
      %dma_start3A_49 = tpu.memref_slice %arg4[%mul3A_2] : memref<16384xf32, #tpu.memory_space<hbm>> -> memref<512xf32, #tpu.memory_space<hbm>>
      %dma_start3A_50 = tpu.memref_slice %arg4[%mul3A_2] : memref<16384xf32, #tpu.memory_space<hbm>> -> memref<512xf32, #tpu.memory_space<hbm>>
      tpu.enqueue_dma source(%arg6 : memref<512xf32, #tpu.memory_space<vmem>>) target(%dma_start3A_50 : memref<512xf32, #tpu.memory_space<hbm>>) target_semaphore(%run_scoped3A : memref<!tpu.dma_semaphore, #tpu.memory_space<semaphore_mem>>)
      %dma_wait3A_51 = tpu.memref_slice %arg4[%mul3A_2] : memref<16384xf32, #tpu.memory_space<hbm>> -> memref<512xf32, #tpu.memory_space<hbm>>
      %dma_wait3A_52 = tpu.memref_slice %arg4[%mul3A_2] : memref<16384xf32, #tpu.memory_space<hbm>> -> memref<512xf32, #tpu.memory_space<hbm>>
      tpu.wait_dma2 semaphore(%run_scoped3A : memref<!tpu.dma_semaphore, #tpu.memory_space<semaphore_mem>>) src(%arg6 : memref<512xf32, #tpu.memory_space<vmem>>) dst(%dma_wait3A_52 : memref<512xf32, #tpu.memory_space<hbm>>)
      tpu.yield
    }) : () -> ()
    return
  }
}

#map = affine_map<(d0, d1) -> (0)>
module attributes {stable_mosaic.version = 14 : i64} {
  func.func @_scatter_body_wrap(%arg0: i32, %arg1: i32, %arg2: memref<1000000xf32, #tpu.memory_space<hbm>>, %arg3: memref<16384xi32, #tpu.memory_space<hbm>>, %arg4: memref<16384xf32, #tpu.memory_space<hbm>>, %arg5: memref<16384xf32, #tpu.memory_space<hbm>>, %arg6: memref<1000000xf32, #tpu.memory_space<hbm>>, %arg7: memref<16384xi32, #tpu.memory_space<vmem>>, %arg8: memref<16384xf32, #tpu.memory_space<vmem>>, %arg9: memref<16384xf32, #tpu.memory_space<vmem>>, %arg10: memref<31312xf32, #tpu.memory_space<vmem>>, %arg11: memref<!tpu.dma_semaphore, #tpu.memory_space<semaphore_mem>>) attributes {dimension_semantics = [#tpu.dimension_semantics<core_parallel>, #tpu.dimension_semantics<subcore_parallel>], iteration_bounds = array<i64: 2, 16>, scalar_prefetch = 0 : i64, scratch_operands = 5 : i64, tpu.core_type = #tpu.core_type<sc_vector_subcore>, window_params = [{transform_indices = #map}, {transform_indices = #map}, {transform_indices = #map}, {transform_indices = #map}, {transform_indices = #map}]} {
    %mul3A = arith.constant 2 : i32
    %mul3A_0 = arith.muli %arg1, %mul3A : i32
    %add3A = arith.addi %mul3A_0, %arg0 : i32
    %mul3A_1 = arith.constant 31248 : i32
    %mul3A_2 = arith.muli %add3A, %mul3A_1 : i32
    %eq3A = arith.constant 31 : i32
    %eq3A_3 = arith.cmpi eq, %add3A, %eq3A : i32
    "tpu.region"() ({
      %run_scoped3A = tpu.sem_alloc : memref<!tpu.dma_semaphore, #tpu.memory_space<semaphore_mem>>
      tpu.enqueue_dma source(%arg3 : memref<16384xi32, #tpu.memory_space<hbm>>) target(%arg7 : memref<16384xi32, #tpu.memory_space<vmem>>) target_semaphore(%run_scoped3A : memref<!tpu.dma_semaphore, #tpu.memory_space<semaphore_mem>>)
      tpu.wait_dma2 semaphore(%run_scoped3A : memref<!tpu.dma_semaphore, #tpu.memory_space<semaphore_mem>>) src(%arg3 : memref<16384xi32, #tpu.memory_space<hbm>>) dst(%arg7 : memref<16384xi32, #tpu.memory_space<vmem>>)
      tpu.yield
    }) : () -> ()
    "tpu.region"() ({
      %run_scoped3A = tpu.sem_alloc : memref<!tpu.dma_semaphore, #tpu.memory_space<semaphore_mem>>
      tpu.enqueue_dma source(%arg4 : memref<16384xf32, #tpu.memory_space<hbm>>) target(%arg8 : memref<16384xf32, #tpu.memory_space<vmem>>) target_semaphore(%run_scoped3A : memref<!tpu.dma_semaphore, #tpu.memory_space<semaphore_mem>>)
      tpu.wait_dma2 semaphore(%run_scoped3A : memref<!tpu.dma_semaphore, #tpu.memory_space<semaphore_mem>>) src(%arg4 : memref<16384xf32, #tpu.memory_space<hbm>>) dst(%arg8 : memref<16384xf32, #tpu.memory_space<vmem>>)
      tpu.yield
    }) : () -> ()
    "tpu.region"() ({
      %run_scoped3A = tpu.sem_alloc : memref<!tpu.dma_semaphore, #tpu.memory_space<semaphore_mem>>
      tpu.enqueue_dma source(%arg5 : memref<16384xf32, #tpu.memory_space<hbm>>) target(%arg9 : memref<16384xf32, #tpu.memory_space<vmem>>) target_semaphore(%run_scoped3A : memref<!tpu.dma_semaphore, #tpu.memory_space<semaphore_mem>>)
      tpu.wait_dma2 semaphore(%run_scoped3A : memref<!tpu.dma_semaphore, #tpu.memory_space<semaphore_mem>>) src(%arg5 : memref<16384xf32, #tpu.memory_space<hbm>>) dst(%arg9 : memref<16384xf32, #tpu.memory_space<vmem>>)
      tpu.yield
    }) : () -> ()
    %not3A = arith.constant true
    %not3A_4 = arith.xori %eq3A_3, %not3A : i1
    %convert_element_type3A = arith.extui %not3A_4 : i1 to i32
    %cond3A = arith.constant 0 : i32
    %cond3A_5 = arith.cmpi ne, %convert_element_type3A, %cond3A : i32
    scf.if %cond3A_5 {
      "tpu.region"() ({
        %run_scoped3A = tpu.sem_alloc : memref<!tpu.dma_semaphore, #tpu.memory_space<semaphore_mem>>
        %dma_start3A = arith.constant 0 : i32
        %dma_start3A_23 = tpu.memref_slice %arg10[%dma_start3A] : memref<31312xf32, #tpu.memory_space<vmem>> -> memref<31248xf32, #tpu.memory_space<vmem>>
        %dma_start3A_24 = tpu.memref_slice %arg2[%mul3A_2] : memref<1000000xf32, #tpu.memory_space<hbm>> -> memref<31248xf32, #tpu.memory_space<hbm>>
        %dma_start3A_25 = arith.constant 0 : i32
        %dma_start3A_26 = tpu.memref_slice %arg10[%dma_start3A_25] : memref<31312xf32, #tpu.memory_space<vmem>> -> memref<31248xf32, #tpu.memory_space<vmem>>
        %dma_start3A_27 = tpu.memref_slice %arg2[%mul3A_2] : memref<1000000xf32, #tpu.memory_space<hbm>> -> memref<31248xf32, #tpu.memory_space<hbm>>
        tpu.enqueue_dma source(%dma_start3A_27 : memref<31248xf32, #tpu.memory_space<hbm>>) target(%dma_start3A_26 : memref<31248xf32, #tpu.memory_space<vmem>>) target_semaphore(%run_scoped3A : memref<!tpu.dma_semaphore, #tpu.memory_space<semaphore_mem>>)
        %dma_wait3A = arith.constant 0 : i32
        %dma_wait3A_28 = tpu.memref_slice %arg10[%dma_wait3A] : memref<31312xf32, #tpu.memory_space<vmem>> -> memref<31248xf32, #tpu.memory_space<vmem>>
        %dma_wait3A_29 = tpu.memref_slice %arg2[%mul3A_2] : memref<1000000xf32, #tpu.memory_space<hbm>> -> memref<31248xf32, #tpu.memory_space<hbm>>
        %dma_wait3A_30 = arith.constant 0 : i32
        %dma_wait3A_31 = tpu.memref_slice %arg10[%dma_wait3A_30] : memref<31312xf32, #tpu.memory_space<vmem>> -> memref<31248xf32, #tpu.memory_space<vmem>>
        %dma_wait3A_32 = tpu.memref_slice %arg2[%mul3A_2] : memref<1000000xf32, #tpu.memory_space<hbm>> -> memref<31248xf32, #tpu.memory_space<hbm>>
        tpu.wait_dma2 semaphore(%run_scoped3A : memref<!tpu.dma_semaphore, #tpu.memory_space<semaphore_mem>>) src(%dma_wait3A_32 : memref<31248xf32, #tpu.memory_space<hbm>>) dst(%dma_wait3A_31 : memref<31248xf32, #tpu.memory_space<vmem>>)
        tpu.yield
      }) : () -> ()
    } else {
    }
    %convert_element_type3A_6 = arith.extui %eq3A_3 : i1 to i32
    %cond3A_7 = arith.constant 0 : i32
    %cond3A_8 = arith.cmpi ne, %convert_element_type3A_6, %cond3A_7 : i32
    scf.if %cond3A_8 {
      "tpu.region"() ({
        %run_scoped3A = tpu.sem_alloc : memref<!tpu.dma_semaphore, #tpu.memory_space<semaphore_mem>>
        %dma_start3A = arith.constant 0 : i32
        %dma_start3A_23 = tpu.memref_slice %arg10[%dma_start3A] : memref<31312xf32, #tpu.memory_space<vmem>> -> memref<31312xf32, #tpu.memory_space<vmem>>
        %dma_start3A_24 = tpu.memref_slice %arg2[%mul3A_2] : memref<1000000xf32, #tpu.memory_space<hbm>> -> memref<31312xf32, #tpu.memory_space<hbm>>
        %dma_start3A_25 = arith.constant 0 : i32
        %dma_start3A_26 = tpu.memref_slice %arg10[%dma_start3A_25] : memref<31312xf32, #tpu.memory_space<vmem>> -> memref<31312xf32, #tpu.memory_space<vmem>>
        %dma_start3A_27 = tpu.memref_slice %arg2[%mul3A_2] : memref<1000000xf32, #tpu.memory_space<hbm>> -> memref<31312xf32, #tpu.memory_space<hbm>>
        tpu.enqueue_dma source(%dma_start3A_27 : memref<31312xf32, #tpu.memory_space<hbm>>) target(%dma_start3A_26 : memref<31312xf32, #tpu.memory_space<vmem>>) target_semaphore(%run_scoped3A : memref<!tpu.dma_semaphore, #tpu.memory_space<semaphore_mem>>)
        %dma_wait3A = arith.constant 0 : i32
        %dma_wait3A_28 = tpu.memref_slice %arg10[%dma_wait3A] : memref<31312xf32, #tpu.memory_space<vmem>> -> memref<31312xf32, #tpu.memory_space<vmem>>
        %dma_wait3A_29 = tpu.memref_slice %arg2[%mul3A_2] : memref<1000000xf32, #tpu.memory_space<hbm>> -> memref<31312xf32, #tpu.memory_space<hbm>>
        %dma_wait3A_30 = arith.constant 0 : i32
        %dma_wait3A_31 = tpu.memref_slice %arg10[%dma_wait3A_30] : memref<31312xf32, #tpu.memory_space<vmem>> -> memref<31312xf32, #tpu.memory_space<vmem>>
        %dma_wait3A_32 = tpu.memref_slice %arg2[%mul3A_2] : memref<1000000xf32, #tpu.memory_space<hbm>> -> memref<31312xf32, #tpu.memory_space<hbm>>
        tpu.wait_dma2 semaphore(%run_scoped3A : memref<!tpu.dma_semaphore, #tpu.memory_space<semaphore_mem>>) src(%dma_wait3A_32 : memref<31312xf32, #tpu.memory_space<hbm>>) dst(%dma_wait3A_31 : memref<31312xf32, #tpu.memory_space<vmem>>)
        tpu.yield
      }) : () -> ()
    } else {
    }
    %jit3A = arith.constant 31312 : i32
    %jit3A_9 = arith.constant 31248 : i32
    %select_n3A = arith.select %eq3A_3, %jit3A, %jit3A_9 : i32
    %scan3A = arith.constant 0 : i32
    %scan3A_10 = arith.constant 0 : i32
    %scan3A_11 = arith.constant 1024 : i32
    %scan3A_12 = arith.addi %scan3A_10, %scan3A_11 : i32
    %scan3A_13 = arith.constant 8 : i32
    scf.for %scan3A_23 = %scan3A_10 to %scan3A_12 step %scan3A_13  : i32 {
      %mul3A_24 = arith.constant 16 : i32
      %mul3A_25 = arith.muli %scan3A_23, %mul3A_24 : i32
      %get3A = arith.index_cast %mul3A_25 : i32 to index
      %get3A_26 = tpu.vector_load %arg7[%get3A] {strides = array<i32>} : memref<16384xi32, #tpu.memory_space<vmem>>, vector<16xi32>,
      %get3A_27 = arith.index_cast %mul3A_25 : i32 to index
      %get3A_28 = tpu.vector_load %arg9[%get3A_27] {strides = array<i32>} : memref<16384xf32, #tpu.memory_space<vmem>>, vector<16xf32>,
      %mul3A_29 = arith.constant 0.899999976 : f32
      %mul3A_30 = vector.broadcast %mul3A_29 : f32 to vector<16xf32>
      %mul3A_31 = arith.mulf %get3A_28, %mul3A_30 : vector<16xf32>
      %get3A_32 = arith.index_cast %mul3A_25 : i32 to index
      %get3A_33 = tpu.vector_load %arg8[%get3A_32] {strides = array<i32>} : memref<16384xf32, #tpu.memory_space<vmem>>, vector<16xf32>,
      %mul3A_34 = arith.constant 1.000000e-01 : f32
      %mul3A_35 = vector.broadcast %mul3A_34 : f32 to vector<16xf32>
      %mul3A_36 = arith.mulf %get3A_33, %mul3A_35 : vector<16xf32>
      %add3A_37 = arith.addf %mul3A_31, %mul3A_36 : vector<16xf32>
      %sub3A = vector.broadcast %mul3A_2 : i32 to vector<16xi32>
      %sub3A_38 = arith.subi %get3A_26, %sub3A : vector<16xi32>
      %lt3A = vector.broadcast %select_n3A : i32 to vector<16xi32>
      %lt3A_39 = arith.cmpi ult, %sub3A_38, %lt3A : vector<16xi32>
      %jit3A_40 = arith.constant 0 : i32
      %broadcast_in_dim3A = vector.broadcast %jit3A_40 : i32 to vector<16xi32>
      %select_n3A_41 = arith.select %lt3A_39, %sub3A_38, %broadcast_in_dim3A : vector<16xi1>, vector<16xi32>
      tpu.vector_store_idx %arg10[%select_n3A_41], %add3A_37 masked %lt3A_39 : memref<31312xf32, #tpu.memory_space<vmem>>[vector<16xi32>], vector<16xf32>, vector<16xi1>
      %scan3A_42 = arith.constant 1 : i32
      %scan3A_43 = arith.addi %scan3A_23, %scan3A_42 : i32
      %mul3A_44 = arith.constant 16 : i32
      %mul3A_45 = arith.muli %scan3A_43, %mul3A_44 : i32
      %get3A_46 = arith.index_cast %mul3A_45 : i32 to index
      %get3A_47 = tpu.vector_load %arg7[%get3A_46] {strides = array<i32>} : memref<16384xi32, #tpu.memory_space<vmem>>, vector<16xi32>,
      %get3A_48 = arith.index_cast %mul3A_45 : i32 to index
      %get3A_49 = tpu.vector_load %arg9[%get3A_48] {strides = array<i32>} : memref<16384xf32, #tpu.memory_space<vmem>>, vector<16xf32>,
      %mul3A_50 = arith.constant 0.899999976 : f32
      %mul3A_51 = vector.broadcast %mul3A_50 : f32 to vector<16xf32>
      %mul3A_52 = arith.mulf %get3A_49, %mul3A_51 : vector<16xf32>
      %get3A_53 = arith.index_cast %mul3A_45 : i32 to index
      %get3A_54 = tpu.vector_load %arg8[%get3A_53] {strides = array<i32>} : memref<16384xf32, #tpu.memory_space<vmem>>, vector<16xf32>,
      %mul3A_55 = arith.constant 1.000000e-01 : f32
      %mul3A_56 = vector.broadcast %mul3A_55 : f32 to vector<16xf32>
      %mul3A_57 = arith.mulf %get3A_54, %mul3A_56 : vector<16xf32>
      %add3A_58 = arith.addf %mul3A_52, %mul3A_57 : vector<16xf32>
      %sub3A_59 = vector.broadcast %mul3A_2 : i32 to vector<16xi32>
      %sub3A_60 = arith.subi %get3A_47, %sub3A_59 : vector<16xi32>
      %lt3A_61 = vector.broadcast %select_n3A : i32 to vector<16xi32>
      %lt3A_62 = arith.cmpi ult, %sub3A_60, %lt3A_61 : vector<16xi32>
      %jit3A_63 = arith.constant 0 : i32
      %broadcast_in_dim3A_64 = vector.broadcast %jit3A_63 : i32 to vector<16xi32>
      %select_n3A_65 = arith.select %lt3A_62, %sub3A_60, %broadcast_in_dim3A_64 : vector<16xi1>, vector<16xi32>
      tpu.vector_store_idx %arg10[%select_n3A_65], %add3A_58 masked %lt3A_62 : memref<31312xf32, #tpu.memory_space<vmem>>[vector<16xi32>], vector<16xf32>, vector<16xi1>
      %scan3A_66 = arith.constant 2 : i32
      %scan3A_67 = arith.addi %scan3A_23, %scan3A_66 : i32
      %mul3A_68 = arith.constant 16 : i32
      %mul3A_69 = arith.muli %scan3A_67, %mul3A_68 : i32
      %get3A_70 = arith.index_cast %mul3A_69 : i32 to index
      %get3A_71 = tpu.vector_load %arg7[%get3A_70] {strides = array<i32>} : memref<16384xi32, #tpu.memory_space<vmem>>, vector<16xi32>,
      %get3A_72 = arith.index_cast %mul3A_69 : i32 to index
      %get3A_73 = tpu.vector_load %arg9[%get3A_72] {strides = array<i32>} : memref<16384xf32, #tpu.memory_space<vmem>>, vector<16xf32>,
      %mul3A_74 = arith.constant 0.899999976 : f32
      %mul3A_75 = vector.broadcast %mul3A_74 : f32 to vector<16xf32>
      %mul3A_76 = arith.mulf %get3A_73, %mul3A_75 : vector<16xf32>
      %get3A_77 = arith.index_cast %mul3A_69 : i32 to index
      %get3A_78 = tpu.vector_load %arg8[%get3A_77] {strides = array<i32>} : memref<16384xf32, #tpu.memory_space<vmem>>, vector<16xf32>,
      %mul3A_79 = arith.constant 1.000000e-01 : f32
      %mul3A_80 = vector.broadcast %mul3A_79 : f32 to vector<16xf32>
      %mul3A_81 = arith.mulf %get3A_78, %mul3A_80 : vector<16xf32>
      %add3A_82 = arith.addf %mul3A_76, %mul3A_81 : vector<16xf32>
      %sub3A_83 = vector.broadcast %mul3A_2 : i32 to vector<16xi32>
      %sub3A_84 = arith.subi %get3A_71, %sub3A_83 : vector<16xi32>
      %lt3A_85 = vector.broadcast %select_n3A : i32 to vector<16xi32>
      %lt3A_86 = arith.cmpi ult, %sub3A_84, %lt3A_85 : vector<16xi32>
      %jit3A_87 = arith.constant 0 : i32
      %broadcast_in_dim3A_88 = vector.broadcast %jit3A_87 : i32 to vector<16xi32>
      %select_n3A_89 = arith.select %lt3A_86, %sub3A_84, %broadcast_in_dim3A_88 : vector<16xi1>, vector<16xi32>
      tpu.vector_store_idx %arg10[%select_n3A_89], %add3A_82 masked %lt3A_86 : memref<31312xf32, #tpu.memory_space<vmem>>[vector<16xi32>], vector<16xf32>, vector<16xi1>
      %scan3A_90 = arith.constant 3 : i32
      %scan3A_91 = arith.addi %scan3A_23, %scan3A_90 : i32
      %mul3A_92 = arith.constant 16 : i32
      %mul3A_93 = arith.muli %scan3A_91, %mul3A_92 : i32
      %get3A_94 = arith.index_cast %mul3A_93 : i32 to index
      %get3A_95 = tpu.vector_load %arg7[%get3A_94] {strides = array<i32>} : memref<16384xi32, #tpu.memory_space<vmem>>, vector<16xi32>,
      %get3A_96 = arith.index_cast %mul3A_93 : i32 to index
      %get3A_97 = tpu.vector_load %arg9[%get3A_96] {strides = array<i32>} : memref<16384xf32, #tpu.memory_space<vmem>>, vector<16xf32>,
      %mul3A_98 = arith.constant 0.899999976 : f32
      %mul3A_99 = vector.broadcast %mul3A_98 : f32 to vector<16xf32>
      %mul3A_100 = arith.mulf %get3A_97, %mul3A_99 : vector<16xf32>
      %get3A_101 = arith.index_cast %mul3A_93 : i32 to index
      %get3A_102 = tpu.vector_load %arg8[%get3A_101] {strides = array<i32>} : memref<16384xf32, #tpu.memory_space<vmem>>, vector<16xf32>,
      %mul3A_103 = arith.constant 1.000000e-01 : f32
      %mul3A_104 = vector.broadcast %mul3A_103 : f32 to vector<16xf32>
      %mul3A_105 = arith.mulf %get3A_102, %mul3A_104 : vector<16xf32>
      %add3A_106 = arith.addf %mul3A_100, %mul3A_105 : vector<16xf32>
      %sub3A_107 = vector.broadcast %mul3A_2 : i32 to vector<16xi32>
      %sub3A_108 = arith.subi %get3A_95, %sub3A_107 : vector<16xi32>
      %lt3A_109 = vector.broadcast %select_n3A : i32 to vector<16xi32>
      %lt3A_110 = arith.cmpi ult, %sub3A_108, %lt3A_109 : vector<16xi32>
      %jit3A_111 = arith.constant 0 : i32
      %broadcast_in_dim3A_112 = vector.broadcast %jit3A_111 : i32 to vector<16xi32>
      %select_n3A_113 = arith.select %lt3A_110, %sub3A_108, %broadcast_in_dim3A_112 : vector<16xi1>, vector<16xi32>
      tpu.vector_store_idx %arg10[%select_n3A_113], %add3A_106 masked %lt3A_110 : memref<31312xf32, #tpu.memory_space<vmem>>[vector<16xi32>], vector<16xf32>, vector<16xi1>
      %scan3A_114 = arith.constant 4 : i32
      %scan3A_115 = arith.addi %scan3A_23, %scan3A_114 : i32
      %mul3A_116 = arith.constant 16 : i32
      %mul3A_117 = arith.muli %scan3A_115, %mul3A_116 : i32
      %get3A_118 = arith.index_cast %mul3A_117 : i32 to index
      %get3A_119 = tpu.vector_load %arg7[%get3A_118] {strides = array<i32>} : memref<16384xi32, #tpu.memory_space<vmem>>, vector<16xi32>,
      %get3A_120 = arith.index_cast %mul3A_117 : i32 to index
      %get3A_121 = tpu.vector_load %arg9[%get3A_120] {strides = array<i32>} : memref<16384xf32, #tpu.memory_space<vmem>>, vector<16xf32>,
      %mul3A_122 = arith.constant 0.899999976 : f32
      %mul3A_123 = vector.broadcast %mul3A_122 : f32 to vector<16xf32>
      %mul3A_124 = arith.mulf %get3A_121, %mul3A_123 : vector<16xf32>
      %get3A_125 = arith.index_cast %mul3A_117 : i32 to index
      %get3A_126 = tpu.vector_load %arg8[%get3A_125] {strides = array<i32>} : memref<16384xf32, #tpu.memory_space<vmem>>, vector<16xf32>,
      %mul3A_127 = arith.constant 1.000000e-01 : f32
      %mul3A_128 = vector.broadcast %mul3A_127 : f32 to vector<16xf32>
      %mul3A_129 = arith.mulf %get3A_126, %mul3A_128 : vector<16xf32>
      %add3A_130 = arith.addf %mul3A_124, %mul3A_129 : vector<16xf32>
      %sub3A_131 = vector.broadcast %mul3A_2 : i32 to vector<16xi32>
      %sub3A_132 = arith.subi %get3A_119, %sub3A_131 : vector<16xi32>
      %lt3A_133 = vector.broadcast %select_n3A : i32 to vector<16xi32>
      %lt3A_134 = arith.cmpi ult, %sub3A_132, %lt3A_133 : vector<16xi32>
      %jit3A_135 = arith.constant 0 : i32
      %broadcast_in_dim3A_136 = vector.broadcast %jit3A_135 : i32 to vector<16xi32>
      %select_n3A_137 = arith.select %lt3A_134, %sub3A_132, %broadcast_in_dim3A_136 : vector<16xi1>, vector<16xi32>
      tpu.vector_store_idx %arg10[%select_n3A_137], %add3A_130 masked %lt3A_134 : memref<31312xf32, #tpu.memory_space<vmem>>[vector<16xi32>], vector<16xf32>, vector<16xi1>
      %scan3A_138 = arith.constant 5 : i32
      %scan3A_139 = arith.addi %scan3A_23, %scan3A_138 : i32
      %mul3A_140 = arith.constant 16 : i32
      %mul3A_141 = arith.muli %scan3A_139, %mul3A_140 : i32
      %get3A_142 = arith.index_cast %mul3A_141 : i32 to index
      %get3A_143 = tpu.vector_load %arg7[%get3A_142] {strides = array<i32>} : memref<16384xi32, #tpu.memory_space<vmem>>, vector<16xi32>,
      %get3A_144 = arith.index_cast %mul3A_141 : i32 to index
      %get3A_145 = tpu.vector_load %arg9[%get3A_144] {strides = array<i32>} : memref<16384xf32, #tpu.memory_space<vmem>>, vector<16xf32>,
      %mul3A_146 = arith.constant 0.899999976 : f32
      %mul3A_147 = vector.broadcast %mul3A_146 : f32 to vector<16xf32>
      %mul3A_148 = arith.mulf %get3A_145, %mul3A_147 : vector<16xf32>
      %get3A_149 = arith.index_cast %mul3A_141 : i32 to index
      %get3A_150 = tpu.vector_load %arg8[%get3A_149] {strides = array<i32>} : memref<16384xf32, #tpu.memory_space<vmem>>, vector<16xf32>,
      %mul3A_151 = arith.constant 1.000000e-01 : f32
      %mul3A_152 = vector.broadcast %mul3A_151 : f32 to vector<16xf32>
      %mul3A_153 = arith.mulf %get3A_150, %mul3A_152 : vector<16xf32>
      %add3A_154 = arith.addf %mul3A_148, %mul3A_153 : vector<16xf32>
      %sub3A_155 = vector.broadcast %mul3A_2 : i32 to vector<16xi32>
      %sub3A_156 = arith.subi %get3A_143, %sub3A_155 : vector<16xi32>
      %lt3A_157 = vector.broadcast %select_n3A : i32 to vector<16xi32>
      %lt3A_158 = arith.cmpi ult, %sub3A_156, %lt3A_157 : vector<16xi32>
      %jit3A_159 = arith.constant 0 : i32
      %broadcast_in_dim3A_160 = vector.broadcast %jit3A_159 : i32 to vector<16xi32>
      %select_n3A_161 = arith.select %lt3A_158, %sub3A_156, %broadcast_in_dim3A_160 : vector<16xi1>, vector<16xi32>
      tpu.vector_store_idx %arg10[%select_n3A_161], %add3A_154 masked %lt3A_158 : memref<31312xf32, #tpu.memory_space<vmem>>[vector<16xi32>], vector<16xf32>, vector<16xi1>
      %scan3A_162 = arith.constant 6 : i32
      %scan3A_163 = arith.addi %scan3A_23, %scan3A_162 : i32
      %mul3A_164 = arith.constant 16 : i32
      %mul3A_165 = arith.muli %scan3A_163, %mul3A_164 : i32
      %get3A_166 = arith.index_cast %mul3A_165 : i32 to index
      %get3A_167 = tpu.vector_load %arg7[%get3A_166] {strides = array<i32>} : memref<16384xi32, #tpu.memory_space<vmem>>, vector<16xi32>,
      %get3A_168 = arith.index_cast %mul3A_165 : i32 to index
      %get3A_169 = tpu.vector_load %arg9[%get3A_168] {strides = array<i32>} : memref<16384xf32, #tpu.memory_space<vmem>>, vector<16xf32>,
      %mul3A_170 = arith.constant 0.899999976 : f32
      %mul3A_171 = vector.broadcast %mul3A_170 : f32 to vector<16xf32>
      %mul3A_172 = arith.mulf %get3A_169, %mul3A_171 : vector<16xf32>
      %get3A_173 = arith.index_cast %mul3A_165 : i32 to index
      %get3A_174 = tpu.vector_load %arg8[%get3A_173] {strides = array<i32>} : memref<16384xf32, #tpu.memory_space<vmem>>, vector<16xf32>,
      %mul3A_175 = arith.constant 1.000000e-01 : f32
      %mul3A_176 = vector.broadcast %mul3A_175 : f32 to vector<16xf32>
      %mul3A_177 = arith.mulf %get3A_174, %mul3A_176 : vector<16xf32>
      %add3A_178 = arith.addf %mul3A_172, %mul3A_177 : vector<16xf32>
      %sub3A_179 = vector.broadcast %mul3A_2 : i32 to vector<16xi32>
      %sub3A_180 = arith.subi %get3A_167, %sub3A_179 : vector<16xi32>
      %lt3A_181 = vector.broadcast %select_n3A : i32 to vector<16xi32>
      %lt3A_182 = arith.cmpi ult, %sub3A_180, %lt3A_181 : vector<16xi32>
      %jit3A_183 = arith.constant 0 : i32
      %broadcast_in_dim3A_184 = vector.broadcast %jit3A_183 : i32 to vector<16xi32>
      %select_n3A_185 = arith.select %lt3A_182, %sub3A_180, %broadcast_in_dim3A_184 : vector<16xi1>, vector<16xi32>
      tpu.vector_store_idx %arg10[%select_n3A_185], %add3A_178 masked %lt3A_182 : memref<31312xf32, #tpu.memory_space<vmem>>[vector<16xi32>], vector<16xf32>, vector<16xi1>
      %scan3A_186 = arith.constant 7 : i32
      %scan3A_187 = arith.addi %scan3A_23, %scan3A_186 : i32
      %mul3A_188 = arith.constant 16 : i32
      %mul3A_189 = arith.muli %scan3A_187, %mul3A_188 : i32
      %get3A_190 = arith.index_cast %mul3A_189 : i32 to index
      %get3A_191 = tpu.vector_load %arg7[%get3A_190] {strides = array<i32>} : memref<16384xi32, #tpu.memory_space<vmem>>, vector<16xi32>,
      %get3A_192 = arith.index_cast %mul3A_189 : i32 to index
      %get3A_193 = tpu.vector_load %arg9[%get3A_192] {strides = array<i32>} : memref<16384xf32, #tpu.memory_space<vmem>>, vector<16xf32>,
      %mul3A_194 = arith.constant 0.899999976 : f32
      %mul3A_195 = vector.broadcast %mul3A_194 : f32 to vector<16xf32>
      %mul3A_196 = arith.mulf %get3A_193, %mul3A_195 : vector<16xf32>
      %get3A_197 = arith.index_cast %mul3A_189 : i32 to index
      %get3A_198 = tpu.vector_load %arg8[%get3A_197] {strides = array<i32>} : memref<16384xf32, #tpu.memory_space<vmem>>, vector<16xf32>,
      %mul3A_199 = arith.constant 1.000000e-01 : f32
      %mul3A_200 = vector.broadcast %mul3A_199 : f32 to vector<16xf32>
      %mul3A_201 = arith.mulf %get3A_198, %mul3A_200 : vector<16xf32>
      %add3A_202 = arith.addf %mul3A_196, %mul3A_201 : vector<16xf32>
      %sub3A_203 = vector.broadcast %mul3A_2 : i32 to vector<16xi32>
      %sub3A_204 = arith.subi %get3A_191, %sub3A_203 : vector<16xi32>
      %lt3A_205 = vector.broadcast %select_n3A : i32 to vector<16xi32>
      %lt3A_206 = arith.cmpi ult, %sub3A_204, %lt3A_205 : vector<16xi32>
      %jit3A_207 = arith.constant 0 : i32
      %broadcast_in_dim3A_208 = vector.broadcast %jit3A_207 : i32 to vector<16xi32>
      %select_n3A_209 = arith.select %lt3A_206, %sub3A_204, %broadcast_in_dim3A_208 : vector<16xi1>, vector<16xi32>
      tpu.vector_store_idx %arg10[%select_n3A_209], %add3A_202 masked %lt3A_206 : memref<31312xf32, #tpu.memory_space<vmem>>[vector<16xi32>], vector<16xf32>, vector<16xi1>
    }
    %scan3A_14 = arith.constant 1024 : i32
    %not3A_15 = arith.constant true
    %not3A_16 = arith.xori %eq3A_3, %not3A_15 : i1
    %convert_element_type3A_17 = arith.extui %not3A_16 : i1 to i32
    %cond3A_18 = arith.constant 0 : i32
    %cond3A_19 = arith.cmpi ne, %convert_element_type3A_17, %cond3A_18 : i32
    scf.if %cond3A_19 {
      "tpu.region"() ({
        %run_scoped3A = tpu.sem_alloc : memref<!tpu.dma_semaphore, #tpu.memory_space<semaphore_mem>>
        %dma_start3A = arith.constant 0 : i32
        %dma_start3A_23 = tpu.memref_slice %arg10[%dma_start3A] : memref<31312xf32, #tpu.memory_space<vmem>> -> memref<31248xf32, #tpu.memory_space<vmem>>
        %dma_start3A_24 = tpu.memref_slice %arg6[%mul3A_2] : memref<1000000xf32, #tpu.memory_space<hbm>> -> memref<31248xf32, #tpu.memory_space<hbm>>
        %dma_start3A_25 = tpu.memref_slice %arg6[%mul3A_2] : memref<1000000xf32, #tpu.memory_space<hbm>> -> memref<31248xf32, #tpu.memory_space<hbm>>
        %dma_start3A_26 = arith.constant 0 : i32
        %dma_start3A_27 = tpu.memref_slice %arg10[%dma_start3A_26] : memref<31312xf32, #tpu.memory_space<vmem>> -> memref<31248xf32, #tpu.memory_space<vmem>>
        tpu.enqueue_dma source(%dma_start3A_27 : memref<31248xf32, #tpu.memory_space<vmem>>) target(%dma_start3A_25 : memref<31248xf32, #tpu.memory_space<hbm>>) target_semaphore(%run_scoped3A : memref<!tpu.dma_semaphore, #tpu.memory_space<semaphore_mem>>)
        %dma_wait3A = arith.constant 0 : i32
        %dma_wait3A_28 = tpu.memref_slice %arg10[%dma_wait3A] : memref<31312xf32, #tpu.memory_space<vmem>> -> memref<31248xf32, #tpu.memory_space<vmem>>
        %dma_wait3A_29 = tpu.memref_slice %arg6[%mul3A_2] : memref<1000000xf32, #tpu.memory_space<hbm>> -> memref<31248xf32, #tpu.memory_space<hbm>>
        %dma_wait3A_30 = tpu.memref_slice %arg6[%mul3A_2] : memref<1000000xf32, #tpu.memory_space<hbm>> -> memref<31248xf32, #tpu.memory_space<hbm>>
        %dma_wait3A_31 = arith.constant 0 : i32
        %dma_wait3A_32 = tpu.memref_slice %arg10[%dma_wait3A_31] : memref<31312xf32, #tpu.memory_space<vmem>> -> memref<31248xf32, #tpu.memory_space<vmem>>
        tpu.wait_dma2 semaphore(%run_scoped3A : memref<!tpu.dma_semaphore, #tpu.memory_space<semaphore_mem>>) src(%dma_wait3A_32 : memref<31248xf32, #tpu.memory_space<vmem>>) dst(%dma_wait3A_30 : memref<31248xf32, #tpu.memory_space<hbm>>)
        tpu.yield
      }) : () -> ()
    } else {
    }
    %convert_element_type3A_20 = arith.extui %eq3A_3 : i1 to i32
    %cond3A_21 = arith.constant 0 : i32
    %cond3A_22 = arith.cmpi ne, %convert_element_type3A_20, %cond3A_21 : i32
    scf.if %cond3A_22 {
      "tpu.region"() ({
        %run_scoped3A = tpu.sem_alloc : memref<!tpu.dma_semaphore, #tpu.memory_space<semaphore_mem>>
        %dma_start3A = arith.constant 0 : i32
        %dma_start3A_23 = tpu.memref_slice %arg10[%dma_start3A] : memref<31312xf32, #tpu.memory_space<vmem>> -> memref<31312xf32, #tpu.memory_space<vmem>>
        %dma_start3A_24 = tpu.memref_slice %arg6[%mul3A_2] : memref<1000000xf32, #tpu.memory_space<hbm>> -> memref<31312xf32, #tpu.memory_space<hbm>>
        %dma_start3A_25 = tpu.memref_slice %arg6[%mul3A_2] : memref<1000000xf32, #tpu.memory_space<hbm>> -> memref<31312xf32, #tpu.memory_space<hbm>>
        %dma_start3A_26 = arith.constant 0 : i32
        %dma_start3A_27 = tpu.memref_slice %arg10[%dma_start3A_26] : memref<31312xf32, #tpu.memory_space<vmem>> -> memref<31312xf32, #tpu.memory_space<vmem>>
        tpu.enqueue_dma source(%dma_start3A_27 : memref<31312xf32, #tpu.memory_space<vmem>>) target(%dma_start3A_25 : memref<31312xf32, #tpu.memory_space<hbm>>) target_semaphore(%run_scoped3A : memref<!tpu.dma_semaphore, #tpu.memory_space<semaphore_mem>>)
        %dma_wait3A = arith.constant 0 : i32
        %dma_wait3A_28 = tpu.memref_slice %arg10[%dma_wait3A] : memref<31312xf32, #tpu.memory_space<vmem>> -> memref<31312xf32, #tpu.memory_space<vmem>>
        %dma_wait3A_29 = tpu.memref_slice %arg6[%mul3A_2] : memref<1000000xf32, #tpu.memory_space<hbm>> -> memref<31312xf32, #tpu.memory_space<hbm>>
        %dma_wait3A_30 = tpu.memref_slice %arg6[%mul3A_2] : memref<1000000xf32, #tpu.memory_space<hbm>> -> memref<31312xf32, #tpu.memory_space<hbm>>
        %dma_wait3A_31 = arith.constant 0 : i32
        %dma_wait3A_32 = tpu.memref_slice %arg10[%dma_wait3A_31] : memref<31312xf32, #tpu.memory_space<vmem>> -> memref<31312xf32, #tpu.memory_space<vmem>>
        tpu.wait_dma2 semaphore(%run_scoped3A : memref<!tpu.dma_semaphore, #tpu.memory_space<semaphore_mem>>) src(%dma_wait3A_32 : memref<31312xf32, #tpu.memory_space<vmem>>) dst(%dma_wait3A_30 : memref<31312xf32, #tpu.memory_space<hbm>>)
        tpu.yield
      }) : () -> ()
    } else {
    }
    return
  }
}

module attributes {stable_mosaic.version = 14 : i64} {
  func.func @_loss_body(%arg0: i32, %arg1: memref<1000x2048xf32, #tpu.memory_space<vmem>>, %arg2: memref<2048xi32, #tpu.memory_space<vmem>>, %arg3: memref<2048xf32, #tpu.memory_space<vmem>>) attributes {dimension_semantics = [#tpu.dimension_semantics<arbitrary>], iteration_bounds = array<i64: 8>, scalar_prefetch = 0 : i64, scratch_operands = 0 : i64, tpu.core_type = #tpu.core_type<tc>, window_params = [{transform_indices = @transform_0, window_bounds = array<i64: 1000, 2048>}, {transform_indices = @transform_1, window_bounds = array<i64: 2048>}, {transform_indices = @transform_2, window_bounds = array<i64: 2048>}]} {
    %get3A = arith.constant 0 : index
    %get3A_0 = arith.constant 0 : index
    %get3A_1 = vector.load %arg1[%get3A, %get3A_0] : memref<1000x2048xf32, #tpu.memory_space<vmem>>, vector<1000x2048xf32>
    %get3A_2 = arith.constant 0 : index
    %get3A_3 = vector.load %arg2[%get3A_2] : memref<2048xi32, #tpu.memory_space<vmem>>, vector<2048xi32>
    %exp3A = math.exp %get3A_1 : vector<1000x2048xf32>
    %reduce_sum3A = arith.constant dense<0.000000e+00> : vector<2048xf32>
    %reduce_sum3A_4 = vector.multi_reduction <add>, %exp3A, %reduce_sum3A [0] : vector<1000x2048xf32> to vector<2048xf32>
    %log3A = math.log %reduce_sum3A_4 : vector<2048xf32>
    %iota3A = tpu.iota {dimensions = array<i32: 0>} : vector<1000x2048xi32>
    %broadcast_in_dim3A = vector.shape_cast %get3A_3 : vector<2048xi32> to vector<1x2048xi32>
    %eq3A = vector.broadcast %broadcast_in_dim3A : vector<1x2048xi32> to vector<1000x2048xi32>
    %eq3A_5 = arith.cmpi eq, %iota3A, %eq3A : vector<1000x2048xi32>
    %jit3A = arith.constant 0.000000e+00 : f32
    %broadcast_in_dim3A_6 = vector.broadcast %jit3A : f32 to vector<1000x2048xf32>
    %select_n3A = arith.select %eq3A_5, %get3A_1, %broadcast_in_dim3A_6 : vector<1000x2048xi1>, vector<1000x2048xf32>
    %reduce_sum3A_7 = arith.constant dense<0.000000e+00> : vector<2048xf32>
    %reduce_sum3A_8 = vector.multi_reduction <add>, %select_n3A, %reduce_sum3A_7 [0] : vector<1000x2048xf32> to vector<2048xf32>
    %sub3A = arith.subf %log3A, %reduce_sum3A_8 : vector<2048xf32>
    %swap3A = arith.constant 0 : index
    %swap3A_9 = vector.load %arg3[%swap3A] : memref<2048xf32, #tpu.memory_space<vmem>>, vector<2048xf32>
    tpu.vector_store %arg3[%swap3A], %sub3A {strides = array<i32>} : memref<2048xf32, #tpu.memory_space<vmem>>, vector<2048xf32>,
    return
  }
  func.func @transform_0(%arg0: i32) -> (i32, i32) {
    %c0_i32 = arith.constant 0 : i32
    %c0_i32_0 = arith.constant 0 : i32
    return %c0_i32, %arg0 : i32, i32
  }
  func.func @transform_1(%arg0: i32) -> i32 {
    %c0_i32 = arith.constant 0 : i32
    return %arg0 : i32
  }
  func.func @transform_2(%arg0: i32) -> i32 {
    %c0_i32 = arith.constant 0 : i32
    return %arg0 : i32
  }
}

module attributes {stable_mosaic.version = 14 : i64} {
  func.func @_finish_body(%arg0: memref<16384xf32, #tpu.memory_space<vmem>>, %arg1: memref<16384xf32, #tpu.memory_space<vmem>>, %arg2: memref<16384xf32, #tpu.memory_space<vmem>>, %arg3: memref<2xf32, #tpu.memory_space<smem>>, %arg4: memref<16384xf32, #tpu.memory_space<vmem>>) attributes {dimension_semantics = [], scalar_prefetch = 0 : i64, scratch_operands = 0 : i64, tpu.core_type = #tpu.core_type<tc>} {
    %get3A = arith.constant 0 : index
    %get3A_0 = vector.load %arg1[%get3A] : memref<16384xf32, #tpu.memory_space<vmem>>, vector<16384xf32>
    %mul3A = arith.constant 0.899999976 : f32
    %mul3A_1 = vector.broadcast %mul3A : f32 to vector<16384xf32>
    %mul3A_2 = arith.mulf %get3A_0, %mul3A_1 : vector<16384xf32>
    %get3A_3 = arith.constant 0 : index
    %get3A_4 = vector.load %arg0[%get3A_3] : memref<16384xf32, #tpu.memory_space<vmem>>, vector<16384xf32>
    %mul3A_5 = arith.constant 1.000000e-01 : f32
    %mul3A_6 = vector.broadcast %mul3A_5 : f32 to vector<16384xf32>
    %mul3A_7 = arith.mulf %get3A_4, %mul3A_6 : vector<16384xf32>
    %add3A = arith.addf %mul3A_2, %mul3A_7 : vector<16384xf32>
    %get3A_8 = arith.constant 0 : index
    %get3A_9 = memref.load %arg3[%get3A_8] : memref<2xf32, #tpu.memory_space<smem>>
    %get3A_10 = arith.constant 1 : index
    %get3A_11 = memref.load %arg3[%get3A_10] : memref<2xf32, #tpu.memory_space<smem>>
    %mul3A_12 = vector.broadcast %get3A_9 : f32 to vector<16384xf32>
    %mul3A_13 = arith.mulf %add3A, %mul3A_12 : vector<16384xf32>
    %reduce_sum3A = vector.shape_cast %mul3A_13 : vector<16384xf32> to vector<1x16384xf32>
    %reduce_sum3A_14 = arith.constant dense<0.000000e+00> : vector<1xf32>
    %reduce_sum3A_15 = vector.multi_reduction <add>, %reduce_sum3A, %reduce_sum3A_14 [1] : vector<1x16384xf32> to vector<1xf32>
    %reduce_sum3A_16 = vector.shape_cast %reduce_sum3A_15 : vector<1xf32> to vector<1x1xf32>
    %reduce_sum3A_17 = vector.extract %reduce_sum3A_16[0, 0] : f32 from vector<1x1xf32>
    %mul3A_18 = arith.constant 6.10351563E-5 : f32
    %mul3A_19 = arith.mulf %reduce_sum3A_17, %mul3A_18 : f32
    %mul3A_20 = arith.mulf %get3A_11, %mul3A_19 : f32
    %sub3A = vector.broadcast %mul3A_20 : f32 to vector<16384xf32>
    %sub3A_21 = arith.subf %mul3A_13, %sub3A : vector<16384xf32>
    %get3A_22 = arith.constant 0 : index
    %get3A_23 = vector.load %arg2[%get3A_22] : memref<16384xf32, #tpu.memory_space<vmem>>, vector<16384xf32>
    %div3A = arith.divf %sub3A_21, %get3A_23 : vector<16384xf32>
    %swap3A = arith.constant 0 : index
    %swap3A_24 = vector.load %arg4[%swap3A] : memref<16384xf32, #tpu.memory_space<vmem>>, vector<16384xf32>
    tpu.vector_store %arg4[%swap3A], %div3A {strides = array<i32>} : memref<16384xf32, #tpu.memory_space<vmem>>, vector<16384xf32>,
    return
  }
}

</mosaic_0001>

<sc_bundles>
// kernel: kernel.6.cloned.1.call-start
scs
__scs_entry_jumppad:
0x0: {  	(pc) =	sbr.rel $0x88, $3  }
0x1: {  	(tag) =	ssettag $0x0;
	lr =	simm.s32 $0x1  }
0x2: {  	[smem:$0x3F9B] =	sst lr;
	_ =	strace $0xD0000000  }
0x3: {  	_ = 	snop  }
0x4: {  	_ = 	snop  }
0x5: {  	_ = 	snop  }
0x6: {  	_ = 	snop  }
0x7: {  	_ = 	snop  }
__scs_overlays_trampoline_lowered:
0x8: {  	[smem:$0x3FAA] =	sst s0  }
0x9: {  	[smem:$0x3FAB] =	sst s1  }
0xa: {  	[smem:$0x3FAC] =	sst s2  }
0xb: {  	[smem:$0x3FAD] =	sst s3  }
0xc: {  	[smem:$0x3FAE] =	sst s4  }
0xd: {  	[smem:$0x3FAF] =	sst s5  }
0xe: {  	[smem:$0x3FB0] =	sst s6  }
0xf: {  	[smem:$0x3FB1] =	sst s7  }
0x10: {  	[smem:$0x3FB2] =	sst s8  }
0x11: {  	[smem:$0x3FB3] =	sst s9;
	s0 =	simm.s32 @!p0 $0x0  }
0x12: {  	s1 =	sld [smem:$0x3F99];
	s0 =	simm.s32 @p0 $0x1  }
0x13: {  	[smem:$0x3FB4] =	sst s0;
	s0 =	simm.s32 @!p1 $0x0  }
0x14: {  	s2 =	sld [smem:$0x3F98];
	s0 =	simm.s32 @p1 $0x1  }
0x15: {  	[smem:$0x3FB5] =	sst s0;
	s0 =	simm.s32 @!p2 $0x0  }
0x16: {  	s3 =	sld [smem:$0x3FDB];
	s0 =	simm.s32 @p2 $0x1  }
0x17: {  	s4 =	simm.s32 $0x1BF5;
	[smem:$0x3FB7] =	sst s0  }
0x18: {  	s0 =	sld [smem:$0x3F9A];
	_ =	swait.ge [sflag:s4], $0x0  }
0x19: {  	s7 =	sld [smem:$0x3F9B]  }
0x1a: {  	s8 =	sadd.s32 $0xFFFFE003, lr  }
0x1b: {  	s9 =	sadd.s32 $0xFFFFFEF7, lr;
	s5 =	simm.s32 $0xFFFFFFFF;
	p2 =	slt.u32 s8, $0xFFFFF086  }
0x1c: {  	p1 =	slt.u32 s9, $0xF7A;
	s5 =	simm.s32 @!p2 $0x0  }
0x1d: {  	s5 =	simm.s32 @p1 $0x1;
	p0 =	seq.s32 s7, s2  }
0x1e: {  	s7 =	smul.u32 @!p0 $0xF7A, s2;
	p2 =	seq.s32 @!p0 s5, $0x0  }
0x1f: {  	s9 =	smul.u32 $0xF7A, s1;
	s8 =	simm.s32 @!p0 $0x1BF5;
	p2 =	por !p2, p0  }
0x20: {  	[sflag:s8] =	ssyncset.s32 @!p0 $0xFFFFF086;
	s6 =	sadd.s32 @!p0 s3, s7;
	s7 =	simm.s32 @!p0 $0x108  }
0x21: {  	s3 =	sadd.s32 s3, s9;
	s6 =	sadd.s32 @!p0 $0x88, s6;
	s7 =	simm.s32 @p2 $0x1082  }
0x22: {  	[simem:s7], [sflag:s8] =	dma.local @!p0 [hbm:s6], $0xF7A  }
0x23: {  	s9 =	sor.u32 $0xD0000000, s2;
	s6 =	simm.s32 $0x108;
	_ =	swait.ge @!p0 [sflag:s8], $0x0  }
0x24: {  	s3 =	sadd.s32 $0x88, s3;
	s6 =	simm.s32 @!p1 $0x1082;
	[sflag:s4] =	ssyncset.s32 $0xFFFFF086  }
0x25: {  	[simem:s6], [sflag:s4] =	dma.local [hbm:s3], $0xF7A  }
0x26: {  	[smem:$0x3F9B] =	sst s1;
	(tag) =	ssettag s2;
	_ =	strace s9  }
0x27: {  	s1 =	sld [smem:$0x3FAB]  }
0x28: {  	s2 =	sld [smem:$0x3FAC]  }
0x29: {  	s4 =	sld [smem:$0x3FAE]  }
0x2a: {  	p0 =	seq.s32 s5, $0x0;
	s5 =	sld [smem:$0x3FAF]  }
0x2b: {  	s6 =	sld [smem:$0x3FB0]  }
0x2c: {  	s7 =	sld [smem:$0x3FB1]  }
0x2d: {  	s3 =	simm.s32 $0x108;
	s8 =	sld [smem:$0x3FB2]  }
0x2e: {  	s3 =	simm.s32 @!p0 $0x1082;
	s9 =	sld [smem:$0x3FB3]  }
0x2f: {  	lr =	sadd.s32 s0, s3;
	s0 =	sld [smem:$0x3FAA]  }
0x30: {  	s3 =	sld [smem:$0x3FAD]  }
0x31: {  	[smem:$0x3FB6] =	sst s10  }
0x32: {  	s10 =	sld [smem:$0x3FB4];
	_ =	sdelay $0x3  }
0x33: {  	p0 =	seq.s32 s10, $0x1;
	s10 =	sld [smem:$0x3FB6];
	_ =	sdelay $0x3  }
0x34: {  	[smem:$0x3FB6] =	sst s10  }
0x35: {  	s10 =	sld [smem:$0x3FB5];
	_ =	sdelay $0x3  }
0x36: {  	p1 =	seq.s32 s10, $0x1;
	s10 =	sld [smem:$0x3FB6];
	_ =	sdelay $0x3  }
0x37: {  	[smem:$0x3FB6] =	sst s10  }
0x38: {  	s10 =	sld [smem:$0x3FB7]  }
0x39: {  	_ = 	snop;
	(pc) =	sbr.ind lr, $3  }
0x3a: {  	_ = 	snop  }
0x3b: {  	_ = 	snop  }
0x3c: {  	p2 =	seq.s32 s10, $0x1;
	s10 =	sld [smem:$0x3FB6]  }
0x3d: {  	_ =	shalt  }
0x3e: {  	_ =	shalt  }
0x3f: {  	_ =	shalt  }
0x40: {  	_ =	shalt  }
0x41: {  	_ =	shalt  }
0x42: {  	_ =	shalt  }
0x43: {  	_ =	shalt  }
0x44: {  	_ =	shalt  }
0x45: {  	_ =	shalt  }
0x46: {  	_ =	shalt  }
0x47: {  	_ =	shalt  }
0x48: {  	_ =	shalt  }
0x49: {  	_ =	shalt  }
0x4a: {  	_ =	shalt  }
0x4b: {  	_ =	shalt  }
0x4c: {  	_ =	shalt  }
0x4d: {  	_ =	shalt  }
0x4e: {  	_ =	shalt  }
0x4f: {  	_ =	shalt  }
0x50: {  	_ =	shalt  }
0x51: {  	_ =	shalt  }
0x52: {  	_ =	shalt  }
0x53: {  	_ =	shalt  }
0x54: {  	_ =	shalt  }
0x55: {  	_ =	shalt  }
0x56: {  	_ =	shalt  }
0x57: {  	_ =	shalt  }
0x58: {  	_ =	shalt  }
0x59: {  	_ =	shalt  }
0x5a: {  	_ =	shalt  }
0x5b: {  	_ =	shalt  }
0x5c: {  	_ =	shalt  }
0x5d: {  	_ =	shalt  }
0x5e: {  	_ =	shalt  }
0x5f: {  	_ =	shalt  }
0x60: {  	_ =	shalt  }
0x61: {  	_ =	shalt  }
0x62: {  	_ =	shalt  }
0x63: {  	_ =	shalt  }
0x64: {  	_ =	shalt  }
0x65: {  	_ =	shalt  }
0x66: {  	_ =	shalt  }
0x67: {  	_ =	shalt  }
0x68: {  	_ =	shalt  }
0x69: {  	_ =	shalt  }
0x6a: {  	_ =	shalt  }
0x6b: {  	_ =	shalt  }
0x6c: {  	_ =	shalt  }
0x6d: {  	_ =	shalt  }
0x6e: {  	_ =	shalt  }
0x6f: {  	_ =	shalt  }
0x70: {  	_ =	shalt  }
0x71: {  	_ =	shalt  }
0x72: {  	_ =	shalt  }
0x73: {  	_ =	shalt  }
0x74: {  	_ =	shalt  }
0x75: {  	_ =	shalt  }
0x76: {  	_ =	shalt  }
0x77: {  	_ =	shalt  }
0x78: {  	_ =	shalt  }
0x79: {  	_ =	shalt  }
0x7a: {  	_ =	shalt  }
0x7b: {  	_ =	shalt  }
0x7c: {  	_ =	shalt  }
0x7d: {  	_ =	shalt  }
0x7e: {  	_ =	shalt  }
0x7f: {  	_ =	shalt  }
0x80: {  	_ =	shalt  }
0x81: {  	_ =	shalt  }
0x82: {  	_ =	shalt  }
0x83: {  	_ =	shalt  }
0x84: {  	_ =	shalt  }
0x85: {  	_ =	shalt  }
0x86: {  	_ =	shalt  }
0x87: {  	_ =	shalt  }
.Lfunc_end0:
.L_simem_size_0:
called_computation_lowered:
.L_overlay_start_0:
0x88: {  	s2 =	sld [smem:$0x3FD9]  }
0x89: {  	s3 =	sld [smem:$0x3FFE];
	_ =	sdelay $0x1  }
0x8a: {  	s1 =	srdreg.scid  }
0x8b: {  	s0 =	sand.u32 $0x1, s1  }
0x8c: {  	s17 =	sshll.u32 s0, $0xA;
	s2 =	sadd.s32 s3, s2  }
0x8d: {  	s2 =	sadd.s32 s2, s17  }
0x8e: {  	[smem:$0x3FC2] =	sst s2  }
0x8f: {  	_ = 	snop  }
0x90: {  	s2 =	sld [smem:$0x3FC6]  }
0x91: {  	s18 =	sld [smem:$0x3FC5];
	(tm) =	ssettm $0x1  }
0x92: {  	s4 =	sld [smem:$0x3FFB];
	_ =	sdelay $0x3  }
0x93: {  	_ =	strace s4  }
0x94: {  	s4 =	sld [smem:$0x3FFC];
	_ =	sdelay $0x3  }
0x95: {  	_ =	strace s4  }
0x96: {  	s4 =	sld [smem:$0x3FFD];
	_ =	sdelay $0x3  }
0x97: {  	_ =	strace s4  }
0x98: {  	_ =	strace $0x8FFFFFFF  }
0x99: {  	s19 =	sld [smem:$0x3FDB];
	_ =	sdelay $0x1  }
0x9a: {  	s5 =	simm.s32 $_scs_section_size  }
0x9b: {  	s6 =	simm.s32 $_size__tile_overlayer_lowered;
	s7 =	simm.s32 $_tile_overlayer_lowered  }
0x9c: {  	s22 =	simm.s32 $0x1BFF;
	s21 =	sshll.u32 s7, $0x1;
	s4 =	sadd.s32 s5, s19  }
0x9d: {  	s8 =	simm.s32 $0x0;
	s20 =	sshll.u32 s6, $0x1;
	s6 =	sadd.s32 s21, s4  }
0x9e: {  	[timem:s8], [sflag:s22] =	dma.local [hbm:s6], s20  }
0x9f: {  	_ =	swait.ge [sflag:s22], s20  }
0xa0: {  	s5 =	ssub.s32 $0x0, s20;
	[sflag:s22] =	ssyncset.done $0x0  }
0xa1: {  	[sflag:s22] =	ssyncadd.s32 s5;
	_ =	sdelay $0x1  }
0xa2: {  	s23 =	simm.s32 $0x1B8B  }
0xa3: {  	_ =	swait.ge [sflag:s23], $0x1  }
0xa4: {  	[sflag:s23] =	ssyncset.done $0x0  }
0xa5: {  	s25 =	simm.s32 $0x1B8E;
	s24 =	sld [smem:$0x3FFE];
	[sflag:s23] =	ssyncadd.s32 $0xFFFFFFFF  }
0xa6: {  	s26 =	simm.s32 $execute0_lowered;
	[smem:$0x3FD2] =	sst s25  }
0xa7: {  	s6 =	sshll.u32 s26, $0x1;
	_ =	strace $0x80000046;
	[dreg:$0x1] =	wrdreg $0xFFFFFFFF  }
0xa8: {  	s28 =	simm.s32 $_size_execute0_lowered;
	s4 =	sadd.s32 s4, s6;
	[dreg:$0x0] =	wrdreg $0x0  }
0xa9: {  	s6 =	sshll.u32 s28, $0x1;
	[dreg:$0x2] =	wrdreg s4  }
0xaa: {  	[dreg:$0x3] =	wrdreg s6  }
0xab: {  	[dreg:$0x4] =	wrdreg $0xC0  }
0xac: {  	_ =	task [dreg:s8], $0x5FFFF  }
0xad: {  	[dreg:$0x1] =	wrdreg $0xFFFFFFFF  }
0xae: {  	[dreg:$0x0] =	wrdreg $0x60  }
0xaf: {  	[dreg:$0x2] =	wrdreg s2  }
0xb0: {  	[dreg:$0x3] =	wrdreg s18  }
0xb1: {  	[dreg:$0x4] =	wrdreg s24  }
0xb2: {  	[dreg:$0x5] =	wrdreg $0x9  }
0xb3: {  	_ =	task.clear_ibuf [dreg:s8], $0x6FFFF;
	_ =	strace $0x90000046  }
0xb4: {  	s29 =	simm.s32 $0x9;
	_ =	strace $0x80000048  }
0xb5: {  	_ =	swait.ge [sflag:s29], $0x1  }
0xb6: {  	[sflag:s29] =	ssyncadd.s32 $0xFFFFFFFF  }
0xb7: {  	_ =	strace $0x90000048  }
0xb8: {  	_ =	sfence  }
0xb9: {  	s30 =	sld [smem:$0x0];
	_ =	sdelay $0x2  }
0xba: {  	s31 =	sshll.u32 s1, $0xD;
	s1 =	sshrl.u32 s1, $0x2  }
0xbb: {  	s3 =	sand.u32 $0x4000, s31;
	s1 =	sadd.s32 s1, s30  }
0xbc: {  	s0 =	sor.u32 s3, s0;
	s1 =	sshll.u32 s1, $0x11  }
0xbd: {  	s0 =	sor.u32 s1, s0  }
0xbe: {  	s0 =	sadd.s32 $0x8F2B, s0  }
0xbf: {  	[sflag:s0] =	ssyncadd.remote.s32 $0x1  }
0xc0: {  	_ =	sfence.sel $0xFFFF  }
0xc1: {  	[dreg:$0x0] =	wrdreg $0xFFFFFFFF;
	(pc) =	sbr.abs _section_cstart, $3  }
0xc2: {  	[dreg:$0x1] =	wrdreg $0xFFFFFFFF  }
0xc3: {  	_ =	task.clear_ibuf [dreg:s8], $0x2FFFF;
	_ =	strace $0x9FFFFFFF  }
0xc4: {  	(tm) =	ssettm $0x7FFFFFFF  }
0xc5: {  	_ =	shalt  }
tec
execute0_lowered:
.L_overlay_start_1:
0x0: {  	(tag) =	ssettag $0x1  }
0x1: {  	s2 =	rddreg [dreg:$0x0]  }
0x2: {  	s4 =	rddreg [dreg:$0x1]  }
0x3: {  	s14 =	rddreg [dreg:$0x2];
	s3 =	srdreg.scid  }
0x4: {  	s0 =	rddreg [dreg:$0x3];
	s1 =	stileid.u32;
	s15 =	sand.u32 $0x1, s3  }
0x5: {  	s3 =	simm.s32 $0x0;
	s5 =	sshll.u32 s1, $0x7;
	s6 =	sshll.u32 s15, $0x6  }
0x6: {  	[smem:$0x7FF] =	sst s3;
	s16 =	sor.u32 s6, s5  }
0x7: {  	_ =	strace $0x80000047;
	s5 =	sadd.s32 s4, s16;
	s4 =	simm.s32 $0x2  }
0x8: {  	[tilespmem:s3], [sflag:$0x2] =	stream.linear.gather [hbm4b:s5+s3], $0x200, $0x38;
	[tilespmem:$0x400] =	vst v63  }
0x9: {  	_ =	swait.ge [sflag:s4], $0x200  }
0xa: {  	[sflag:s4] =	ssyncset.done $0x0  }
0xb: {  	s7 =	simm.s32 $0x200;
	s6 =	simm.s32 $0x80;
	[sflag:s4] =	ssyncadd.s32 $0xFFFFFE00  }
0xc: {  	[tilespmem:s7], [sflag:$0x1] =	stream.indirect.gather [hbm4b:s2+s6], $0x1, s3, s6, $0xb8;
	[tilespmem:$0x400] =	vst v63  }
0xd: {  	s8 =	simm.s32 $0x280  }
0xe: {  	[tilespmem:s8], [sflag:$0x1] =	stream.indirect.gather [hbm4b:s2+s6], $0x1, s6, s6, $0xb8;
	[tilespmem:$0x400] =	vst v63  }
0xf: {  	s9 =	simm.s32 $0x100;
	s10 =	simm.s32 $0x300  }
0x10: {  	[tilespmem:s10], [sflag:$0x1] =	stream.indirect.gather [hbm4b:s2+s6], $0x1, s9, s6, $0xb8;
	[tilespmem:$0x400] =	vst v63  }
0x11: {  	s11 =	simm.s32 $0x180;
	s12 =	simm.s32 $0x380;
	s13 =	simm.s32 $0x1  }
0x12: {  	[tilespmem:s12], [sflag:$0x1] =	stream.indirect.gather [hbm4b:s2+s6], $0x1, s11, s6, $0xb8;
	[tilespmem:$0x400] =	vst v63  }
0x13: {  	_ =	swait.ge [sflag:s13], $0x80  }
0x14: {  	[sflag:s13] =	ssyncset.done $0x0  }
0x15: {  	[sflag:s13] =	ssyncadd.s32 $0xFFFFFF80  }
0x16: {  	_ =	swait.ge [sflag:s13], $0x80  }
0x17: {  	[sflag:s13] =	ssyncset.done $0x0  }
0x18: {  	s15 =	ssub.s32 $0x2, s15;
	[sflag:s13] =	ssyncadd.s32 $0xFFFFFF80  }
0x19: {  	s17 =	sshrl.u32 s15, $0x1;
	_ =	swait.ge [sflag:s13], $0x80  }
0x1a: {  	s15 =	ssub.s32 s15, s17;
	[sflag:s13] =	ssyncset.done $0x0  }
0x1b: {  	s15 =	smax.u32 s15, $0x1;
	[sflag:s13] =	ssyncadd.s32 $0xFFFFFF80  }
0x1c: {  	p0 =	sne.s32 s15, $0x1;
	_ =	swait.ge [sflag:s13], $0x80  }
.Ltmp0:
0x1d: {  	s14 =	sadd.s32 s16, s14;
	[sflag:s13] =	ssyncset.done $0x0;
	(pc) =	sbr.rel @!p0 .LBB2_2-.Ltmp0, $4  }
0x1e: {  	s14 =	sadd.s32 $0x1200, s14;
	[sflag:s13] =	ssyncadd.s32 $0xFFFFFF80  }
0x1f: {  	[hbm4b:s14+s3] =	stream.linear.scatter [tilespmem:s7], [sflag:$0x2], $0x200, $0x38;
	[tilespmem:$0x400] =	vst v63  }
0x20: {  	_ =	swait.ge [sflag:s4], $0x200  }
0x21: {  	s15 =	sadd.s32 $0xFFFFFFFF, s15;
	[sflag:s4] =	ssyncset.done $0x0  }
.LBB2_1:
0x22: {  	p0 =	sne.s32 s15, $0x1;
	s15 =	sadd.s32 $0xFFFFFFFF, s15;
	[sflag:s4] =	ssyncadd.s32 $0xFFFFFE00  }
0x23: {  	[tilespmem:s3], [sflag:$0x2] =	stream.linear.gather [hbm4b:s5+s3], $0x200, $0x38;
	[tilespmem:$0x400] =	vst v63  }
0x24: {  	_ =	swait.ge [sflag:s4], $0x200  }
0x25: {  	[sflag:s4] =	ssyncset.done $0x0  }
0x26: {  	[sflag:s4] =	ssyncadd.s32 $0xFFFFFE00  }
0x27: {  	[tilespmem:s7], [sflag:$0x1] =	stream.indirect.gather [hbm4b:s2+s6], $0x1, s3, s6, $0xb8;
	[tilespmem:$0x400] =	vst v63  }
0x28: {  	_ = 	snop  }
0x29: {  	[tilespmem:s8], [sflag:$0x1] =	stream.indirect.gather [hbm4b:s2+s6], $0x1, s6, s6, $0xb8;
	[tilespmem:$0x400] =	vst v63  }
0x2a: {  	_ = 	snop  }
0x2b: {  	[tilespmem:s10], [sflag:$0x1] =	stream.indirect.gather [hbm4b:s2+s6], $0x1, s9, s6, $0xb8;
	[tilespmem:$0x400] =	vst v63  }
0x2c: {  	_ = 	snop  }
0x2d: {  	[tilespmem:s12], [sflag:$0x1] =	stream.indirect.gather [hbm4b:s2+s6], $0x1, s11, s6, $0xb8;
	[tilespmem:$0x400] =	vst v63  }
0x2e: {  	_ =	swait.ge [sflag:s13], $0x80  }
0x2f: {  	[sflag:s13] =	ssyncset.done $0x0  }
0x30: {  	[sflag:s13] =	ssyncadd.s32 $0xFFFFFF80  }
0x31: {  	_ =	swait.ge [sflag:s13], $0x80  }
0x32: {  	[sflag:s13] =	ssyncset.done $0x0  }
0x33: {  	[sflag:s13] =	ssyncadd.s32 $0xFFFFFF80  }
0x34: {  	_ =	swait.ge [sflag:s13], $0x80  }
0x35: {  	[sflag:s13] =	ssyncset.done $0x0  }
0x36: {  	[sflag:s13] =	ssyncadd.s32 $0xFFFFFF80  }
0x37: {  	_ =	swait.ge [sflag:s13], $0x80  }
.Ltmp1:
0x38: {  	[sflag:s13] =	ssyncset.done $0x0;
	(pc) =	sbr.rel @p0 .LBB2_1-.Ltmp1, $4  }
0x39: {  	[sflag:s13] =	ssyncadd.s32 $0xFFFFFF80  }
0x3a: {  	[hbm4b:s14+s3] =	stream.linear.scatter [tilespmem:s7], [sflag:$0x2], $0x200, $0x38;
	[tilespmem:$0x400] =	vst v63  }
0x3b: {  	_ =	swait.ge [sflag:s4], $0x200  }
0x3c: {  	[sflag:s4] =	ssyncset.done $0x0  }
.LBB2_2:
0x3d: {  	[sflag:s4] =	ssyncadd.s32 $0xFFFFFE00  }
0x3e: {  	_ =	sfence.sel $0x180000  }
0x3f: {  	[bflag:$0x0] =	sbarrier.arrive $0xFFFF  }
0x40: {  	p0 =	sne.s32 s1, $0x0;
	_ =	strace $0x90000047  }
0x41: {  	s0 =	sadd.s32 @!p0 $0x100000, s0;
	[bflag:$0x2] =	sbarrier.arrive $0xFFFF  }
0x42: {  	[sflag:s0] =	ssyncadd.tile.s32 @!p0 $0x1;
	_ =	shalt  }
.Lfunc_end2:
_tile_overlayer_lowered:
.L_overlay_start_2:
0x43: {  	(tag) =	ssettag $0x2  }
0x44: {  	s0 =	rddreg [dreg:$0x0];
	s2 =	stileid.u32  }
0x45: {  	s1 =	rddreg [dreg:$0x1];
	p0 =	sne.s32 s2, $0x0  }
0x46: {  	s3 =	rddreg [dreg:$0x2];
	[bflag:$0x3] =	sbarrier.arrive $0xFFFF;
	s2 =	simm.s32 @!p0 $0x1C02  }
0x47: {  	[timem:s3], [sflag:s2] =	dma.local @!p0 [hbm:s0], s1  }
0x48: {  	s0 =	simm.s32 @!p0 $0x2  }
0x49: {  	_ =	swait.ge @!p0 [sflag:s0], s1  }
0x4a: {  	s1 =	ssub.s32 @!p0 $0x0, s1;
	[sflag:s0] =	ssyncset.done @!p0 $0x0  }
0x4b: {  	[sflag:s0] =	ssyncadd.s32 @!p0 s1  }
0x4c: {  	[bflag:$0x3] =	sbarrier.arrive $0xFFFF  }
0x4d: {  	_ =	shalt  }

// kernel: kernel.9.cloned.1.call-start
scs
__scs_entry_jumppad:
0x0: {  	(pc) =	sbr.rel $0x88, $3  }
0x1: {  	(tag) =	ssettag $0x0;
	lr =	simm.s32 $0x1  }
0x2: {  	[smem:$0x3F9B] =	sst lr;
	_ =	strace $0xD0000000  }
0x3: {  	_ = 	snop  }
0x4: {  	_ = 	snop  }
0x5: {  	_ = 	snop  }
0x6: {  	_ = 	snop  }
0x7: {  	_ = 	snop  }
__scs_overlays_trampoline_lowered:
0x8: {  	[smem:$0x3FAA] =	sst s0  }
0x9: {  	[smem:$0x3FAB] =	sst s1  }
0xa: {  	[smem:$0x3FAC] =	sst s2  }
0xb: {  	[smem:$0x3FAD] =	sst s3  }
0xc: {  	[smem:$0x3FAE] =	sst s4  }
0xd: {  	[smem:$0x3FAF] =	sst s5  }
0xe: {  	[smem:$0x3FB0] =	sst s6  }
0xf: {  	[smem:$0x3FB1] =	sst s7  }
0x10: {  	[smem:$0x3FB2] =	sst s8  }
0x11: {  	[smem:$0x3FB3] =	sst s9;
	s0 =	simm.s32 @!p0 $0x0  }
0x12: {  	s1 =	sld [smem:$0x3F99];
	s0 =	simm.s32 @p0 $0x1  }
0x13: {  	[smem:$0x3FB4] =	sst s0;
	s0 =	simm.s32 @!p1 $0x0  }
0x14: {  	s2 =	sld [smem:$0x3F98];
	s0 =	simm.s32 @p1 $0x1  }
0x15: {  	[smem:$0x3FB5] =	sst s0;
	s0 =	simm.s32 @!p2 $0x0  }
0x16: {  	s3 =	sld [smem:$0x3FDB];
	s0 =	simm.s32 @p2 $0x1  }
0x17: {  	s4 =	simm.s32 $0x1BF5;
	[smem:$0x3FB7] =	sst s0  }
0x18: {  	s0 =	sld [smem:$0x3F9A];
	_ =	swait.ge [sflag:s4], $0x0  }
0x19: {  	s7 =	sld [smem:$0x3F9B]  }
0x1a: {  	s8 =	sadd.s32 $0xFFFFE003, lr  }
0x1b: {  	s9 =	sadd.s32 $0xFFFFFEF7, lr;
	s5 =	simm.s32 $0xFFFFFFFF;
	p2 =	slt.u32 s8, $0xFFFFF086  }
0x1c: {  	p1 =	slt.u32 s9, $0xF7A;
	s5 =	simm.s32 @!p2 $0x0  }
0x1d: {  	s5 =	simm.s32 @p1 $0x1;
	p0 =	seq.s32 s7, s2  }
0x1e: {  	s7 =	smul.u32 @!p0 $0xF7A, s2;
	p2 =	seq.s32 @!p0 s5, $0x0  }
0x1f: {  	s9 =	smul.u32 $0xF7A, s1;
	s8 =	simm.s32 @!p0 $0x1BF5;
	p2 =	por !p2, p0  }
0x20: {  	[sflag:s8] =	ssyncset.s32 @!p0 $0xFFFFF086;
	s6 =	sadd.s32 @!p0 s3, s7;
	s7 =	simm.s32 @!p0 $0x108  }
0x21: {  	s3 =	sadd.s32 s3, s9;
	s6 =	sadd.s32 @!p0 $0x88, s6;
	s7 =	simm.s32 @p2 $0x1082  }
0x22: {  	[simem:s7], [sflag:s8] =	dma.local @!p0 [hbm:s6], $0xF7A  }
0x23: {  	s9 =	sor.u32 $0xD0000000, s2;
	s6 =	simm.s32 $0x108;
	_ =	swait.ge @!p0 [sflag:s8], $0x0  }
0x24: {  	s3 =	sadd.s32 $0x88, s3;
	s6 =	simm.s32 @!p1 $0x1082;
	[sflag:s4] =	ssyncset.s32 $0xFFFFF086  }
0x25: {  	[simem:s6], [sflag:s4] =	dma.local [hbm:s3], $0xF7A  }
0x26: {  	[smem:$0x3F9B] =	sst s1;
	(tag) =	ssettag s2;
	_ =	strace s9  }
0x27: {  	s1 =	sld [smem:$0x3FAB]  }
0x28: {  	s2 =	sld [smem:$0x3FAC]  }
0x29: {  	s4 =	sld [smem:$0x3FAE]  }
0x2a: {  	p0 =	seq.s32 s5, $0x0;
	s5 =	sld [smem:$0x3FAF]  }
0x2b: {  	s6 =	sld [smem:$0x3FB0]  }
0x2c: {  	s7 =	sld [smem:$0x3FB1]  }
0x2d: {  	s3 =	simm.s32 $0x108;
	s8 =	sld [smem:$0x3FB2]  }
0x2e: {  	s3 =	simm.s32 @!p0 $0x1082;
	s9 =	sld [smem:$0x3FB3]  }
0x2f: {  	lr =	sadd.s32 s0, s3;
	s0 =	sld [smem:$0x3FAA]  }
0x30: {  	s3 =	sld [smem:$0x3FAD]  }
0x31: {  	[smem:$0x3FB6] =	sst s10  }
0x32: {  	s10 =	sld [smem:$0x3FB4];
	_ =	sdelay $0x3  }
0x33: {  	p0 =	seq.s32 s10, $0x1;
	s10 =	sld [smem:$0x3FB6];
	_ =	sdelay $0x3  }
0x34: {  	[smem:$0x3FB6] =	sst s10  }
0x35: {  	s10 =	sld [smem:$0x3FB5];
	_ =	sdelay $0x3  }
0x36: {  	p1 =	seq.s32 s10, $0x1;
	s10 =	sld [smem:$0x3FB6];
	_ =	sdelay $0x3  }
0x37: {  	[smem:$0x3FB6] =	sst s10  }
0x38: {  	s10 =	sld [smem:$0x3FB7]  }
0x39: {  	_ = 	snop;
	(pc) =	sbr.ind lr, $3  }
0x3a: {  	_ = 	snop  }
0x3b: {  	_ = 	snop  }
0x3c: {  	p2 =	seq.s32 s10, $0x1;
	s10 =	sld [smem:$0x3FB6]  }
0x3d: {  	_ =	shalt  }
0x3e: {  	_ =	shalt  }
0x3f: {  	_ =	shalt  }
0x40: {  	_ =	shalt  }
0x41: {  	_ =	shalt  }
0x42: {  	_ =	shalt  }
0x43: {  	_ =	shalt  }
0x44: {  	_ =	shalt  }
0x45: {  	_ =	shalt  }
0x46: {  	_ =	shalt  }
0x47: {  	_ =	shalt  }
0x48: {  	_ =	shalt  }
0x49: {  	_ =	shalt  }
0x4a: {  	_ =	shalt  }
0x4b: {  	_ =	shalt  }
0x4c: {  	_ =	shalt  }
0x4d: {  	_ =	shalt  }
0x4e: {  	_ =	shalt  }
0x4f: {  	_ =	shalt  }
0x50: {  	_ =	shalt  }
0x51: {  	_ =	shalt  }
0x52: {  	_ =	shalt  }
0x53: {  	_ =	shalt  }
0x54: {  	_ =	shalt  }
0x55: {  	_ =	shalt  }
0x56: {  	_ =	shalt  }
0x57: {  	_ =	shalt  }
0x58: {  	_ =	shalt  }
0x59: {  	_ =	shalt  }
0x5a: {  	_ =	shalt  }
0x5b: {  	_ =	shalt  }
0x5c: {  	_ =	shalt  }
0x5d: {  	_ =	shalt  }
0x5e: {  	_ =	shalt  }
0x5f: {  	_ =	shalt  }
0x60: {  	_ =	shalt  }
0x61: {  	_ =	shalt  }
0x62: {  	_ =	shalt  }
0x63: {  	_ =	shalt  }
0x64: {  	_ =	shalt  }
0x65: {  	_ =	shalt  }
0x66: {  	_ =	shalt  }
0x67: {  	_ =	shalt  }
0x68: {  	_ =	shalt  }
0x69: {  	_ =	shalt  }
0x6a: {  	_ =	shalt  }
0x6b: {  	_ =	shalt  }
0x6c: {  	_ =	shalt  }
0x6d: {  	_ =	shalt  }
0x6e: {  	_ =	shalt  }
0x6f: {  	_ =	shalt  }
0x70: {  	_ =	shalt  }
0x71: {  	_ =	shalt  }
0x72: {  	_ =	shalt  }
0x73: {  	_ =	shalt  }
0x74: {  	_ =	shalt  }
0x75: {  	_ =	shalt  }
0x76: {  	_ =	shalt  }
0x77: {  	_ =	shalt  }
0x78: {  	_ =	shalt  }
0x79: {  	_ =	shalt  }
0x7a: {  	_ =	shalt  }
0x7b: {  	_ =	shalt  }
0x7c: {  	_ =	shalt  }
0x7d: {  	_ =	shalt  }
0x7e: {  	_ =	shalt  }
0x7f: {  	_ =	shalt  }
0x80: {  	_ =	shalt  }
0x81: {  	_ =	shalt  }
0x82: {  	_ =	shalt  }
0x83: {  	_ =	shalt  }
0x84: {  	_ =	shalt  }
0x85: {  	_ =	shalt  }
0x86: {  	_ =	shalt  }
0x87: {  	_ =	shalt  }
.Lfunc_end0:
.L_simem_size_0:
called_computation.1_lowered:
.L_overlay_start_0:
0x88: {  	s2 =	sld [smem:$0x3FD9]  }
0x89: {  	s3 =	sld [smem:$0x3FFE];
	_ =	sdelay $0x1  }
0x8a: {  	s1 =	srdreg.scid  }
0x8b: {  	s0 =	sand.u32 $0x1, s1  }
0x8c: {  	s14 =	sshll.u32 s0, $0xA;
	s2 =	sadd.s32 s3, s2  }
0x8d: {  	s2 =	sadd.s32 s2, s14  }
0x8e: {  	[smem:$0x3FC2] =	sst s2  }
0x8f: {  	_ = 	snop  }
0x90: {  	s2 =	sld [smem:$0x3FD0];
	_ =	sdelay $0x1  }
0x91: {  	s15 =	sld [smem:$0x3FC6]  }
0x92: {  	s5 =	simm.s32 $0xA;
	s6 =	simm.s32 $0x10;
	s4 =	sld [smem:$0x3FC5]  }
0x93: {  	[smem:s6], [sflag:s5] =	dma.local [hbm:s2], $0x1  }
0x94: {  	_ =	swait.eq [sflag:s5], $0x1  }
0x95: {  	[sflag:s5] =	ssyncset.done $0x0  }
0x96: {  	[sflag:s5] =	ssyncadd.s32 $0xFFFFFFFF  }
0x97: {  	s16 =	sld [smem:$0x11];
	(tm) =	ssettm $0x1  }
0x98: {  	s17 =	sld [smem:$0x3FFB];
	_ =	sdelay $0x3  }
0x99: {  	_ =	strace s17  }
0x9a: {  	s5 =	sld [smem:$0x3FFC];
	_ =	sdelay $0x3  }
0x9b: {  	_ =	strace s5  }
0x9c: {  	s5 =	sld [smem:$0x3FFD];
	_ =	sdelay $0x3  }
0x9d: {  	_ =	strace s5  }
0x9e: {  	_ =	strace $0x8FFFFFFF  }
0x9f: {  	s18 =	sld [smem:$0x3FDB];
	_ =	sdelay $0x1  }
0xa0: {  	s19 =	simm.s32 $_scs_section_size  }
0xa1: {  	s7 =	simm.s32 $_size__tile_overlayer_lowered;
	s8 =	simm.s32 $_tile_overlayer_lowered  }
0xa2: {  	s22 =	simm.s32 $0x1BFF;
	s21 =	sshll.u32 s8, $0x1;
	s5 =	sadd.s32 s19, s18  }
0xa3: {  	s9 =	simm.s32 $0x0;
	s20 =	sshll.u32 s7, $0x1;
	s7 =	sadd.s32 s21, s5  }
0xa4: {  	[timem:s9], [sflag:s22] =	dma.local [hbm:s7], s20  }
0xa5: {  	_ =	swait.ge [sflag:s22], s20  }
0xa6: {  	s6 =	ssub.s32 $0x0, s20;
	[sflag:s22] =	ssyncset.done $0x0  }
0xa7: {  	[sflag:s22] =	ssyncadd.s32 s6;
	_ =	sdelay $0x1  }
0xa8: {  	s23 =	simm.s32 $0x1B8B  }
0xa9: {  	_ =	swait.ge [sflag:s23], $0x1  }
0xaa: {  	[sflag:s23] =	ssyncset.done $0x0  }
0xab: {  	s25 =	simm.s32 $0x1B8E;
	s24 =	sld [smem:$0x3FFE];
	[sflag:s23] =	ssyncadd.s32 $0xFFFFFFFF  }
0xac: {  	s26 =	simm.s32 $execute0_lowered;
	[smem:$0x3FD2] =	sst s25  }
0xad: {  	s7 =	sshll.u32 s26, $0x1;
	_ =	strace $0x80000049;
	[dreg:$0x1] =	wrdreg $0xFFFFFFFF  }
0xae: {  	s28 =	simm.s32 $_size_execute0_lowered;
	s5 =	sadd.s32 s5, s7;
	[dreg:$0x0] =	wrdreg $0x0  }
0xaf: {  	s7 =	sshll.u32 s28, $0x1;
	[dreg:$0x2] =	wrdreg s5  }
0xb0: {  	[dreg:$0x3] =	wrdreg s7  }
0xb1: {  	[dreg:$0x4] =	wrdreg $0xC0  }
0xb2: {  	_ =	task [dreg:s9], $0x5FFFF  }
0xb3: {  	[dreg:$0x1] =	wrdreg $0xFFFFFFFF  }
0xb4: {  	[dreg:$0x0] =	wrdreg $0x60  }
0xb5: {  	[dreg:$0x2] =	wrdreg s15  }
0xb6: {  	[dreg:$0x3] =	wrdreg s4  }
0xb7: {  	[dreg:$0x4] =	wrdreg s24  }
0xb8: {  	[dreg:$0x5] =	wrdreg s16  }
0xb9: {  	[dreg:$0x6] =	wrdreg $0x9  }
0xba: {  	_ =	task.clear_ibuf [dreg:s9], $0x7FFFF;
	_ =	strace $0x90000049  }
0xbb: {  	s29 =	simm.s32 $0x9;
	_ =	strace $0x8000004B  }
0xbc: {  	_ =	swait.ge [sflag:s29], $0x1  }
0xbd: {  	[sflag:s29] =	ssyncadd.s32 $0xFFFFFFFF  }
0xbe: {  	_ =	strace $0x9000004B  }
0xbf: {  	_ =	sfence  }
0xc0: {  	s30 =	sld [smem:$0x0];
	_ =	sdelay $0x2  }
0xc1: {  	s31 =	sshll.u32 s1, $0xD;
	s1 =	sshrl.u32 s1, $0x2  }
0xc2: {  	s3 =	sand.u32 $0x4000, s31;
	s1 =	sadd.s32 s1, s30  }
0xc3: {  	s0 =	sor.u32 s3, s0;
	s1 =	sshll.u32 s1, $0x11  }
0xc4: {  	s0 =	sor.u32 s1, s0  }
0xc5: {  	s0 =	sadd.s32 $0x8F2B, s0  }
0xc6: {  	[sflag:s0] =	ssyncadd.remote.s32 $0x1  }
0xc7: {  	_ =	sfence.sel $0xFFFF  }
0xc8: {  	[dreg:$0x0] =	wrdreg $0xFFFFFFFF;
	(pc) =	sbr.abs _section_cstart, $3  }
0xc9: {  	[dreg:$0x1] =	wrdreg $0xFFFFFFFF  }
0xca: {  	_ =	task.clear_ibuf [dreg:s9], $0x2FFFF;
	_ =	strace $0x9FFFFFFF  }
0xcb: {  	(tm) =	ssettm $0x7FFFFFFF  }
tec
execute0_lowered:
.L_overlay_start_1:
0x0: {  	(tag) =	ssettag $0x1  }
0x1: {  	s7 =	rddreg [dreg:$0x0]  }
0x2: {  	s1 =	rddreg [dreg:$0x1]  }
0x3: {  	s5 =	rddreg [dreg:$0x2];
	s2 =	srdreg.scid  }
0x4: {  	s0 =	stileid.u32;
	s9 =	rddreg [dreg:$0x3];
	s3 =	simm.s32 $0x0  }
0x5: {  	s14 =	simm.s32 $0xC000;
	s6 =	sand.u32 $0x1, s2;
	s2 =	rddreg [dreg:$0x4]  }
0x6: {  	s15 =	simm.s32 $0x0;
	s4 =	sshll.u32 s0, $0x1;
	[smem:$0x7FF] =	sst s3  }
0x7: {  	s11 =	sor.u32 s6, s4;
	_ =	strace $0x8000004A;
	s4 =	sadd.s32 $0x1A00, s5  }
0x8: {  	s6 =	ssub.s32 $0x2, s6;
	s5 =	sadd.s32 $0x1200, s5;
	s13 =	smul.u32 $0x7A10, s11  }
0x9: {  	s8 =	sshrl.u32 s6, $0x1;
	p0 =	seq.s32 s11, $0x1F;
	s11 =	simm.s32 $0x1  }
0xa: {  	s12 =	ssub.s32 s6, s8;
	s10 =	sshrl.u32 s13, $0x3;
	v0 =	vmov s13;
	s13 =	simm.s32 $0x8000  }
0xb: {  	s6 =	sadd.s32 s7, s10;
	s7 =	sadd.s32 $0x1D8FE, s7;
	s8 =	sadd.s32 s9, s10  }
0xc: {  	s9 =	sadd.s32 $0x1D8FE, s9;
	s10 =	smax.u32 s12, $0x1;
	s12 =	simm.s32 $0x4000  }
.LBB2_1:
0xd: {  	[tilespmem:s3], [sflag:$0x1] =	stream.linear.gather [hbm4b:s1+s3], $0x4000, $0x38;
	[tilespmem:$0x13A80] =	vst v63  }
0xe: {  	_ =	swait.ge [sflag:s11], $0x4000  }
0xf: {  	[sflag:s11] =	ssyncset.done $0x0  }
0x10: {  	[sflag:s11] =	ssyncadd.s32 $0xFFFFC000  }
0x11: {  	[tilespmem:s12], [sflag:$0x1] =	stream.linear.gather [hbm4b:s4+s3], $0x4000, $0x38;
	[tilespmem:$0x13A80] =	vst v63  }
0x12: {  	_ =	swait.ge [sflag:s11], $0x4000  }
0x13: {  	[sflag:s11] =	ssyncset.done $0x0  }
0x14: {  	[sflag:s11] =	ssyncadd.s32 $0xFFFFC000  }
0x15: {  	[tilespmem:s13], [sflag:$0x1] =	stream.linear.gather [hbm4b:s5+s3], $0x4000, $0x38;
	[tilespmem:$0x13A80] =	vst v63  }
0x16: {  	_ =	swait.ge [sflag:s11], $0x4000  }
0x17: {  	[sflag:s11] =	ssyncset.done $0x0  }
0x18: {  	s16 =	simm.s32 @p0 $0x0;
	s17 =	simm.s32 @p0 $0xC000;
	[sflag:s11] =	ssyncadd.s32 $0xFFFFC000  }
0x19: {  	[tilespmem:s17], [sflag:$0x1] =	stream.linear.gather @p0 [hbm4b:s7+s16], $0x7A50, $0x38;
	[tilespmem:$0x13A80] =	vst v63  }
0x1a: {  	s16 =	simm.s32 @p0 $0x1  }
0x1b: {  	_ =	swait.ge @p0 [sflag:s16], $0x7A50  }
0x1c: {  	[sflag:s16] =	ssyncset.done @p0 $0x0  }
0x1d: {  	s17 =	simm.s32 @!p0 $0xC000;
	[sflag:s16] =	ssyncadd.s32 @p0 $0xFFFF85B0;
	s16 =	simm.s32 @!p0 $0x0  }
0x1e: {  	[tilespmem:s17], [sflag:$0x1] =	stream.linear.gather @!p0 [hbm4b:s6+s16], $0x7A10, $0x38;
	[tilespmem:$0x13A80] =	vst v63  }
0x1f: {  	s16 =	simm.s32 @!p0 $0x1  }
0x20: {  	s18 =	simm.s32 $0x8040;
	s17 =	simm.s32 @!p0 $0x7A10;
	_ =	swait.ge @!p0 [sflag:s16], $0x7A10  }
0x21: {  	s19 =	simm.s32 $0x4040;
	s17 =	simm.s32 @p0 $0x7A50;
	[sflag:s16] =	ssyncset.done @!p0 $0x0  }
0x22: {  	v1 =	vmov s17;
	s17 =	simm.s32 $0x40;
	[sflag:s16] =	ssyncadd.s32 @!p0 $0xFFFF85F0;
	s16 =	simm.s32 $0xFFFFFFF8  }
.LBB2_2:
0x23: {  	v2 =	vld [tilespmem:s17+$0xFFFFFFC0];
	_ =	sdelay $0x1  }
0x24: {  	v3 =	vld [tilespmem:s18+$0xFFFFFFC0]  }
0x25: {  	v4 =	vld [tilespmem:s19+$0xFFFFFFC0];
	_ =	sdelay $0x1  }
0x26: {  	v2 =	vsub.s32 v2, v0  }
0x27: {  	vm0 =	vlt.u32 v2, v1  }
0x28: {  	v2 =	vnsel vm0, $0x0, v2  }
0x29: {  	v3 =	vmul.f32 $8.999999760e-01, v3;
	v4 =	vmul.f32 $1.000000010e-01, v4;
	_ =	sdelay $0x1  }
0x2a: {  	v3 =	vadd.f32 v4, v3;
	_ =	sdelay $0x1  }
0x2b: {  	[tilespmem:v2+s14+$0x0] =	vst.idx.msk vm0, v3  }
0x2c: {  	v2 =	vld [tilespmem:s17+$0xFFFFFFD0];
	_ =	sdelay $0x1  }
0x2d: {  	v3 =	vld [tilespmem:s18+$0xFFFFFFD0]  }
0x2e: {  	v57 =	vld [tilespmem:s19+$0xFFFFFFD0];
	_ =	sdelay $0x1  }
0x2f: {  	v2 =	vsub.s32 v2, v0  }
0x30: {  	vm9 =	vlt.u32 v2, v1  }
0x31: {  	v2 =	vnsel vm9, $0x0, v2  }
0x32: {  	v3 =	vmul.f32 $8.999999760e-01, v3;
	v4 =	vmul.f32 $1.000000010e-01, v57;
	_ =	sdelay $0x1  }
0x33: {  	v3 =	vadd.f32 v4, v3;
	_ =	sdelay $0x1  }
0x34: {  	[tilespmem:v2+s14+$0x0] =	vst.idx.msk vm9, v3  }
0x35: {  	v2 =	vld [tilespmem:s17+$0xFFFFFFE0];
	_ =	sdelay $0x1  }
0x36: {  	v3 =	vld [tilespmem:s18+$0xFFFFFFE0]  }
0x37: {  	v58 =	vld [tilespmem:s19+$0xFFFFFFE0];
	_ =	sdelay $0x1  }
0x38: {  	v2 =	vsub.s32 v2, v0  }
0x39: {  	vm10 =	vlt.u32 v2, v1  }
0x3a: {  	v2 =	vnsel vm10, $0x0, v2  }
0x3b: {  	v3 =	vmul.f32 $8.999999760e-01, v3;
	v4 =	vmul.f32 $1.000000010e-01, v58;
	_ =	sdelay $0x1  }
0x3c: {  	v3 =	vadd.f32 v4, v3;
	_ =	sdelay $0x1  }
0x3d: {  	[tilespmem:v2+s14+$0x0] =	vst.idx.msk vm10, v3  }
0x3e: {  	v2 =	vld [tilespmem:s17+$0xFFFFFFF0];
	_ =	sdelay $0x1  }
0x3f: {  	v3 =	vld [tilespmem:s18+$0xFFFFFFF0]  }
0x40: {  	v59 =	vld [tilespmem:s19+$0xFFFFFFF0];
	_ =	sdelay $0x1  }
0x41: {  	v2 =	vsub.s32 v2, v0  }
0x42: {  	vm11 =	vlt.u32 v2, v1  }
0x43: {  	v2 =	vnsel vm11, $0x0, v2  }
0x44: {  	v3 =	vmul.f32 $8.999999760e-01, v3;
	v4 =	vmul.f32 $1.000000010e-01, v59;
	_ =	sdelay $0x1  }
0x45: {  	v3 =	vadd.f32 v4, v3;
	_ =	sdelay $0x1  }
0x46: {  	[tilespmem:v2+s14+$0x0] =	vst.idx.msk vm11, v3  }
0x47: {  	v2 =	vld [tilespmem:s17+$0x0];
	_ =	sdelay $0x1  }
0x48: {  	v3 =	vld [tilespmem:s18+$0x0]  }
0x49: {  	v60 =	vld [tilespmem:s19+$0x0];
	_ =	sdelay $0x1  }
0x4a: {  	v2 =	vsub.s32 v2, v0  }
0x4b: {  	vm12 =	vlt.u32 v2, v1  }
0x4c: {  	v2 =	vnsel vm12, $0x0, v2  }
0x4d: {  	v3 =	vmul.f32 $8.999999760e-01, v3;
	v4 =	vmul.f32 $1.000000010e-01, v60;
	_ =	sdelay $0x1  }
0x4e: {  	v3 =	vadd.f32 v4, v3;
	_ =	sdelay $0x1  }
0x4f: {  	[tilespmem:v2+s14+$0x0] =	vst.idx.msk vm12, v3  }
0x50: {  	v2 =	vld [tilespmem:s17+$0x10];
	_ =	sdelay $0x1  }
0x51: {  	v3 =	vld [tilespmem:s18+$0x10]  }
0x52: {  	v61 =	vld [tilespmem:s19+$0x10];
	_ =	sdelay $0x1  }
0x53: {  	v2 =	vsub.s32 v2, v0  }
0x54: {  	vm13 =	vlt.u32 v2, v1  }
0x55: {  	v2 =	vnsel vm13, $0x0, v2  }
0x56: {  	v3 =	vmul.f32 $8.999999760e-01, v3;
	v4 =	vmul.f32 $1.000000010e-01, v61;
	_ =	sdelay $0x1  }
0x57: {  	v3 =	vadd.f32 v4, v3;
	_ =	sdelay $0x1  }
0x58: {  	[tilespmem:v2+s14+$0x0] =	vst.idx.msk vm13, v3  }
0x59: {  	v2 =	vld [tilespmem:s17+$0x20];
	_ =	sdelay $0x1  }
0x5a: {  	v3 =	vld [tilespmem:s18+$0x20]  }
0x5b: {  	v62 =	vld [tilespmem:s19+$0x20];
	_ =	sdelay $0x1  }
0x5c: {  	v2 =	vsub.s32 v2, v0  }
0x5d: {  	vm14 =	vlt.u32 v2, v1  }
0x5e: {  	v2 =	vnsel vm14, $0x0, v2  }
0x5f: {  	v3 =	vmul.f32 $8.999999760e-01, v3;
	v4 =	vmul.f32 $1.000000010e-01, v62;
	_ =	sdelay $0x1  }
0x60: {  	v3 =	vadd.f32 v4, v3;
	_ =	sdelay $0x1  }
0x61: {  	[tilespmem:v2+s14+$0x0] =	vst.idx.msk vm14, v3  }
0x62: {  	v2 =	vld [tilespmem:s17+$0x30];
	_ =	sdelay $0x1  }
0x63: {  	v3 =	vld [tilespmem:s18+$0x30]  }
0x64: {  	v63 =	vld [tilespmem:s19+$0x30];
	_ =	sdelay $0x1  }
0x65: {  	v2 =	vsub.s32 v2, v0  }
0x66: {  	s16 =	sadd.s32 $0x8, s16;
	vm15 =	vlt.u32 v2, v1  }
0x67: {  	p1 =	slt.u32 s16, $0x3F8;
	v2 =	vnsel vm15, $0x0, v2  }
.Ltmp0:
0x68: {  	v3 =	vmul.f32 $8.999999760e-01, v3;
	v4 =	vmul.f32 $1.000000010e-01, v63;
	(pc) =	sbr.rel @p1 .LBB2_2-.Ltmp0, $3  }
0x69: {  	_ = 	snop  }
0x6a: {  	v3 =	vadd.f32 v4, v3;
	_ =	sdelay $0x1  }
0x6b: {  	s17 =	sadd.s32 $0x80, s17;
	s18 =	sadd.s32 $0x80, s18;
	s19 =	sadd.s32 $0x80, s19;
	[tilespmem:v2+s14+$0x0] =	vst.idx.msk vm15, v3  }
0x6c: {  	s16 =	simm.s32 @p0 $0x0;
	s17 =	simm.s32 @p0 $0xC000  }
0x6d: {  	[hbm4b:s9+s16] =	stream.linear.scatter @p0 [tilespmem:s17], [sflag:$0x1], $0x7A50, $0x38;
	[tilespmem:$0x13A80] =	vst v63  }
0x6e: {  	s16 =	simm.s32 @p0 $0x1  }
0x6f: {  	_ =	swait.ge @p0 [sflag:s16], $0x7A50  }
0x70: {  	s15 =	sadd.s32 $0x1, s15;
	s17 =	simm.s32 @!p0 $0xC000;
	[sflag:s16] =	ssyncset.done @p0 $0x0  }
0x71: {  	p1 =	sne.s32 s15, s10;
	[sflag:s16] =	ssyncadd.s32 @p0 $0xFFFF85B0;
	s16 =	simm.s32 @!p0 $0x0  }
0x72: {  	[hbm4b:s8+s16] =	stream.linear.scatter @!p0 [tilespmem:s17], [sflag:$0x1], $0x7A10, $0x38;
	[tilespmem:$0x13A80] =	vst v63  }
.Ltmp1:
0x73: {  	_ = 	snop;
	(pc) =	sbr.rel @p1 .LBB2_1-.Ltmp1, $4  }
0x74: {  	s16 =	simm.s32 @!p0 $0x1  }
0x75: {  	_ =	swait.ge @!p0 [sflag:s16], $0x7A10  }
0x76: {  	[sflag:s16] =	ssyncset.done @!p0 $0x0  }
0x77: {  	[sflag:s16] =	ssyncadd.s32 @!p0 $0xFFFF85F0  }
0x78: {  	_ =	sfence.sel $0x180000  }
0x79: {  	[bflag:$0x0] =	sbarrier.arrive $0xFFFF  }
0x7a: {  	p0 =	sne.s32 s0, $0x0;
	_ =	strace $0x9000004A  }
0x7b: {  	s0 =	sadd.s32 @!p0 $0x100000, s2;
	[bflag:$0x2] =	sbarrier.arrive $0xFFFF  }
0x7c: {  	[sflag:s0] =	ssyncadd.tile.s32 @!p0 $0x1;
	_ =	shalt  }
.Lfunc_end2:
_tile_overlayer_lowered:
.L_overlay_start_2:
0x7d: {  	(tag) =	ssettag $0x2  }
0x7e: {  	s0 =	rddreg [dreg:$0x0];
	s2 =	stileid.u32  }
0x7f: {  	s1 =	rddreg [dreg:$0x1];
	p0 =	sne.s32 s2, $0x0  }
0x80: {  	s3 =	rddreg [dreg:$0x2];
	[bflag:$0x3] =	sbarrier.arrive $0xFFFF;
	s2 =	simm.s32 @!p0 $0x1C01  }
0x81: {  	[timem:s3], [sflag:s2] =	dma.local @!p0 [hbm:s0], s1  }
0x82: {  	s0 =	simm.s32 @!p0 $0x1  }
0x83: {  	_ =	swait.ge @!p0 [sflag:s0], s1  }
0x84: {  	s1 =	ssub.s32 @!p0 $0x0, s1;
	[sflag:s0] =	ssyncset.done @!p0 $0x0  }
0x85: {  	[sflag:s0] =	ssyncadd.s32 @!p0 s1  }
0x86: {  	[bflag:$0x3] =	sbarrier.arrive $0xFFFF  }
0x87: {  	_ =	shalt  }

</sc_bundles>
